<compile_context>
chip_gen: v7x
topology: tpu7x:2x2x1
jax: 0.10.2.dev20260603
libtpu: 0.0.44.dev20260713+nightly
codegen_flags: <defaults>
</compile_context>

<pallas_src>
import jax
import jax.numpy as jnp
from jax import lax
from jax.experimental import pallas as pl
from jax.experimental.pallas import tpu as pltpu
from jax.experimental.pallas import tpu_sc as plsc
import functools

NC = 2
NS = 16
CH = 128
TR = 128
SB = 32


def _sc_scatter(h, epk2, zeros_agg, zeros_deg, half, d):
    nch = epk2.shape[0]
    ch_per_tile = nch // NS
    hb = half + TR
    rows_per_tile = hb // NS
    cap = ch_per_tile * CH + 4 * CH

    mesh = plsc.VectorSubcoreMesh(
        core_axis_name="c", subcore_axis_name="s",
        num_cores=NC, num_subcores=NS)

    @functools.partial(
        pl.kernel,
        out_type=[
            jax.ShapeDtypeStruct((NC, hb, d), jnp.float32),
            jax.ShapeDtypeStruct((NS, NC * hb), jnp.float32),
        ],
        mesh=mesh,
        compiler_params=pltpu.CompilerParams(needs_layout_passes=False),
        scratch_types=[
            pltpu.VMEM((SB, CH), jnp.int32),
            pltpu.VMEM((cap,), jnp.int32),
            pltpu.VMEM((2, CH), jnp.int32),
            pltpu.VMEM((2, CH), jnp.int32),
            pltpu.VMEM((CH, d), jnp.float32),
            pltpu.VMEM((4 * hb,), jnp.float32),
            pltpu.VMEM((hb,), jnp.float32),
            pltpu.VMEM_SHARED((hb, d), jnp.float32),
            pltpu.SemaphoreType.DMA,
        ],
    )
    def k(h_hbm, epk_hbm, zagg_hbm, zdeg_hbm,
          oagg_hbm, odeg_hbm,
          eblk_v, cpk_v, lsrc_v, ldst_v, rows_v,
          deg4_v, deg_v, agg_sh, semA):
        c = lax.axis_index("c")
        s = lax.axis_index("s")
        lo = c * half

        r0 = s * rows_per_tile
        pltpu.sync_copy(zagg_hbm.at[pl.ds(r0, rows_per_tile)],
                        agg_sh.at[pl.ds(r0, rows_per_tile)])
        pltpu.sync_copy(zdeg_hbm, deg4_v)
        plsc.subcore_barrier()

        iota = lax.iota(jnp.int32, 16)
        copy_idx = iota & 3
        ones16 = jnp.ones((16,), jnp.float32)
        trash16i = jnp.full((16,), half, jnp.int32)
        group_masks = [(iota >> 2) == g for g in range(4)]

        def fblock(b, cw):
            pltpu.sync_copy(
                epk_hbm.at[pl.ds(s * ch_per_tile + b * SB, SB)], eblk_v)

            def frow(r, cw):
                for v in range(CH // 16):
                    pk = eblk_v[r, pl.ds(v * 16, 16)]
                    dv = pk & 16383
                    inr = (dv >= lo) & (dv < lo + half)
                    plsc.store_compressed(cpk_v.at[pl.ds(cw, 16)], pk - lo,
                                          mask=inr)
                    cw = cw + jnp.sum(inr.astype(jnp.int32))
                return cw

            return lax.fori_loop(0, SB, frow, cw)

        cw = lax.fori_loop(0, ch_per_tile // SB, fblock, 0)

        for g2 in range(17):
            pidx = cw + g2 * 16 + iota
            plsc.store_scatter(cpk_v, [pidx], trash16i)

        def stage(j, p):
            for v in range(CH // 16):
                pk = cpk_v[pl.ds(j * CH + v * 16, 16)]
                lv = pk & 16383
                lsrc_v[p, pl.ds(v * 16, 16)] = pk >> 14
                ldst_v[p, pl.ds(v * 16, 16)] = lv
                fidx = copy_idx * hb + lv
                for g in range(4):
                    plsc.addupdate_scatter(deg4_v, [fidx], ones16,
                                           mask=group_masks[g])

        stage(0, 0)

        def body(j, _):
            p = j & 1
            cp = pltpu.async_copy(h_hbm.at[lsrc_v.at[p]], rows_v, semA)
            stage(j + 1, 1 - p)
            cp.wait()
            pltpu.sync_copy(rows_v, agg_sh.at[ldst_v.at[p]], add=True)
            return _

        nct = (cw + (CH - 1)) // CH
        lax.fori_loop(0, nct, body, None)

        def red(i, _):
            b = i * 16
            deg_v[pl.ds(b, 16)] = (
                (deg4_v[pl.ds(b, 16)] + deg4_v[pl.ds(hb + b, 16)])
                + (deg4_v[pl.ds(2 * hb + b, 16)]
                   + deg4_v[pl.ds(3 * hb + b, 16)]))
            return _

        lax.fori_loop(0, hb // 16, red, None)
        plsc.subcore_barrier()

        pltpu.sync_copy(agg_sh.at[pl.ds(r0, rows_per_tile)],
                        oagg_hbm.at[c, pl.ds(r0, rows_per_tile)])
        pltpu.sync_copy(deg_v, odeg_hbm.at[s, pl.ds(c * hb, hb)])

    return k(h, epk2, zeros_agg, zeros_deg)


def _tc_mlp(pagg, pdeg, h, W1, b1, W2, b2, gamma, beta, n, half, d, out_d):
    hb = half + TR
    n1 = n - half

    def body(pa_ref, pd_ref, h_ref, w1_ref, b1_ref, w2_ref, b2_ref,
             g_ref, be_ref, o_ref):
        agg = jnp.concatenate([pa_ref[0, :half, :], pa_ref[1, :n1, :]], axis=0)
        ones_col = jnp.ones((pd_ref.shape[0], 1), jnp.float32)
        deg_col = lax.dot_general(pd_ref[...], ones_col,
                                  dimension_numbers=(((0,), (0,)), ((), ())),
                                  preferred_element_type=jnp.float32)
        deg = jnp.concatenate([deg_col[:half, :], deg_col[hb:hb + n1, :]],
                              axis=0)
        h_in = agg / jnp.maximum(deg, 1.0) + h_ref[...]
        z = jnp.dot(h_in, w1_ref[...], preferred_element_type=jnp.float32)
        z = jnp.maximum(z + b1_ref[...], 0.0)
        z = jnp.dot(z, w2_ref[...], preferred_element_type=jnp.float32)
        z = jnp.maximum(z + b2_ref[...], 0.0)
        mean = jnp.mean(z, axis=0, keepdims=True)
        zc = z - mean
        var = jnp.mean(zc * zc, axis=0, keepdims=True)
        o_ref[...] = zc * lax.rsqrt(var + 1e-5) * g_ref[...] + be_ref[...]

    return pl.pallas_call(
        body,
        out_shape=jax.ShapeDtypeStruct((n, out_d), jnp.float32),
    )(pagg, pdeg, h, W1, b1, W2, b2, gamma, beta)


def kernel(h, edge_index, W1, b1, W2, b2, gamma, beta):
    n, d = h.shape
    e = edge_index.shape[1]
    hdim = W1.shape[1]
    out_d = W2.shape[1]

    half = ((n + 2 * 128 - 1) // (2 * 128)) * 128
    epg = CH * NS * 8
    e_pad = ((e + epg - 1) // epg) * epg
    pad = e_pad - e

    src = edge_index[0].astype(jnp.int32)
    dst = edge_index[1].astype(jnp.int32)
    assert n < (1 << 14) and half + TR < (1 << 14)
    if pad:
        src = jnp.concatenate([src, jnp.zeros((pad,), jnp.int32)])
        dst = jnp.concatenate([dst, jnp.full((pad,), n, jnp.int32)])
    epk2 = ((src << 14) | dst).reshape(-1, CH)

    hb = half + TR
    zeros_agg = jnp.zeros((hb, d), jnp.float32)
    zeros_deg = jnp.zeros((4 * hb,), jnp.float32)

    pagg, pdeg = _sc_scatter(h, epk2, zeros_agg, zeros_deg, half, d)
    return _tc_mlp(pagg, pdeg, h,
                   W1, b1.reshape(1, hdim), W2, b2.reshape(1, out_d),
                   gamma.reshape(1, out_d), beta.reshape(1, out_d),
                   n, half, d, out_d)

# --- scband reference (transcript-rebuilt; emitter-appended) ---
"""Pipeline reference for scband-ginlayer-12506944766436 (READ-ONLY COPY).

The authoritative reference and input builder live on the scoring server;
editing this copy changes nothing except your own understanding.
"""

import jax, jax.numpy as jnp
import numpy as np

N = 10000
E = 320000
D = 128
H = 32
OUT = 128


def setup_inputs(seed: int = 0) -> dict:
    key = jax.random.key(seed)
    ks = jax.random.split(key, 8)
    h = jax.random.normal(ks[0], (N, D), dtype=jnp.float32)
    edge_index = jax.random.randint(ks[1], (2, E), 0, N)
    # MLP (2 layers): node_dim -> hidden_dim -> out_dim
    W1 = jax.random.normal(ks[2], (D, H), dtype=jnp.float32) * (1.0 / np.sqrt(D))
    b1 = jnp.zeros((H,), dtype=jnp.float32)
    W2 = jax.random.normal(ks[3], (H, OUT), dtype=jnp.float32) * (1.0 / np.sqrt(H))
    b2 = jnp.zeros((OUT,), dtype=jnp.float32)
    # BatchNorm1d affine params
    gamma = jnp.ones((OUT,), dtype=jnp.float32)
    beta = jnp.zeros((OUT,), dtype=jnp.float32)
    return {"h": h, "edge_index": edge_index, "W1": W1, "b1": b1, "W2": W2, "b2": b2, "gamma": gamma, "beta": beta}


def reference(h, edge_index, W1, b1, W2, b2, gamma, beta):
    src = edge_index[0]
    dst = edge_index[1]
    # message: gather source node features; reduce: mean over incoming edges
    msgs = jnp.take(h, src, axis=0)
    agg_sum = jax.ops.segment_sum(msgs, dst, num_segments=N)
    deg = jax.ops.segment_sum(jnp.ones((E,), dtype=h.dtype), dst, num_segments=N)
    agg = agg_sum / jnp.maximum(deg, 1.0)[:, None]
    # GIN-style update: h <- agg + h
    h_in = agg + h
    # MLP with relu activation, then final relu
    z = jnp.maximum(h_in @ W1 + b1, 0.0)
    z = z @ W2 + b2
    z = jnp.maximum(z, 0.0)
    # BatchNorm1d (training mode: batch statistics, biased variance)
    mean = jnp.mean(z, axis=0)
    var = jnp.var(z, axis=0)
    z = (z - mean) / jnp.sqrt(var + 1e-5) * gamma + beta
    return z

if __name__ == "__main__":
    import jax
    _d = setup_inputs()
    print(jax.jit(kernel)(*tuple(_d.values())))

</pallas_src>

<mosaic_0001>
#map = affine_map<(d0, d1) -> (0, 0)>
#map1 = affine_map<(d0, d1) -> (0)>
#map2 = affine_map<(d0, d1) -> (0, 0, 0)>
module attributes {stable_mosaic.version = 14 : i64} {
  func.func @k(%arg0: i32, %arg1: i32, %arg2: memref<10000x128xf32, #tpu.memory_space<hbm>>, %arg3: memref<2560x128xi32, #tpu.memory_space<hbm>>, %arg4: memref<5248x128xf32, #tpu.memory_space<hbm>>, %arg5: memref<20992xf32, #tpu.memory_space<hbm>>, %arg6: memref<2x5248x128xf32, #tpu.memory_space<hbm>>, %arg7: memref<16x10496xf32, #tpu.memory_space<hbm>>, %arg8: memref<32x128xi32, #tpu.memory_space<vmem>>, %arg9: memref<20992xi32, #tpu.memory_space<vmem>>, %arg10: memref<2x128xi32, #tpu.memory_space<vmem>>, %arg11: memref<2x128xi32, #tpu.memory_space<vmem>>, %arg12: memref<128x128xf32, #tpu.memory_space<vmem>>, %arg13: memref<20992xf32, #tpu.memory_space<vmem>>, %arg14: memref<5248xf32, #tpu.memory_space<vmem>>, %arg15: memref<5248x128xf32, #tpu.memory_space<vmem_shared>>, %arg16: memref<!tpu.dma_semaphore, #tpu.memory_space<semaphore_mem>>) attributes {dimension_semantics = [#tpu.dimension_semantics<core_parallel>, #tpu.dimension_semantics<subcore_parallel>], iteration_bounds = array<i64: 2, 16>, scalar_prefetch = 0 : i64, scratch_operands = 9 : i64, tpu.core_type = #tpu.core_type<sc_vector_subcore>, window_params = [{transform_indices = #map}, {transform_indices = #map}, {transform_indices = #map}, {transform_indices = #map1}, {transform_indices = #map2}, {transform_indices = #map}]} {
    %mul3A = arith.constant 5120 : i32
    %mul3A_0 = arith.muli %arg0, %mul3A : i32
    %mul3A_1 = arith.constant 328 : i32
    %mul3A_2 = arith.muli %arg1, %mul3A_1 : i32
    "tpu.region"() ({
      %run_scoped3A = tpu.sem_alloc : memref<!tpu.dma_semaphore, #tpu.memory_space<semaphore_mem>>
      %dma_start3A = arith.constant 0 : i32
      %dma_start3A_296 = tpu.memref_slice %arg15[%mul3A_2, %dma_start3A] : memref<5248x128xf32, #tpu.memory_space<vmem_shared>> -> memref<328x128xf32, #tpu.memory_space<vmem_shared>>
      %dma_start3A_297 = arith.constant 0 : i32
      %dma_start3A_298 = tpu.memref_slice %arg4[%mul3A_2, %dma_start3A_297] : memref<5248x128xf32, #tpu.memory_space<hbm>> -> memref<328x128xf32, #tpu.memory_space<hbm>>
      tpu.enqueue_dma source(%dma_start3A_298 : memref<328x128xf32, #tpu.memory_space<hbm>>) target(%dma_start3A_296 : memref<328x128xf32, #tpu.memory_space<vmem_shared>>) target_semaphore(%run_scoped3A : memref<!tpu.dma_semaphore, #tpu.memory_space<semaphore_mem>>)
      %dma_wait3A = arith.constant 0 : i32
      %dma_wait3A_299 = tpu.memref_slice %arg15[%mul3A_2, %dma_wait3A] : memref<5248x128xf32, #tpu.memory_space<vmem_shared>> -> memref<328x128xf32, #tpu.memory_space<vmem_shared>>
      %dma_wait3A_300 = arith.constant 0 : i32
      %dma_wait3A_301 = tpu.memref_slice %arg4[%mul3A_2, %dma_wait3A_300] : memref<5248x128xf32, #tpu.memory_space<hbm>> -> memref<328x128xf32, #tpu.memory_space<hbm>>
      tpu.wait_dma2 semaphore(%run_scoped3A : memref<!tpu.dma_semaphore, #tpu.memory_space<semaphore_mem>>) src(%dma_wait3A_301 : memref<328x128xf32, #tpu.memory_space<hbm>>) dst(%dma_wait3A_299 : memref<328x128xf32, #tpu.memory_space<vmem_shared>>)
      tpu.yield
    }) : () -> ()
    "tpu.region"() ({
      %run_scoped3A = tpu.sem_alloc : memref<!tpu.dma_semaphore, #tpu.memory_space<semaphore_mem>>
      tpu.enqueue_dma source(%arg5 : memref<20992xf32, #tpu.memory_space<hbm>>) target(%arg13 : memref<20992xf32, #tpu.memory_space<vmem>>) target_semaphore(%run_scoped3A : memref<!tpu.dma_semaphore, #tpu.memory_space<semaphore_mem>>)
      tpu.wait_dma2 semaphore(%run_scoped3A : memref<!tpu.dma_semaphore, #tpu.memory_space<semaphore_mem>>) src(%arg5 : memref<20992xf32, #tpu.memory_space<hbm>>) dst(%arg13 : memref<20992xf32, #tpu.memory_space<vmem>>)
      tpu.yield
    }) : () -> ()
    %barrier3A = arith.constant 0 : index
    tpu.barrier barrier_id(%barrier3A)
    %iota3A = tpu.iota {dimensions = array<i32: 0>} : vector<16xi32>
    %and3A = arith.constant 3 : i32
    %and3A_3 = vector.broadcast %and3A : i32 to vector<16xi32>
    %and3A_4 = arith.andi %iota3A, %and3A_3 : vector<16xi32>
    %broadcast_in_dim3A = arith.constant 1.000000e+00 : f32
    %broadcast_in_dim3A_5 = vector.broadcast %broadcast_in_dim3A : f32 to vector<16xf32>
    %broadcast_in_dim3A_6 = arith.constant 5120 : i32
    %broadcast_in_dim3A_7 = vector.broadcast %broadcast_in_dim3A_6 : i32 to vector<16xi32>
    %shift_right_arithmetic3A = arith.constant 2 : i32
    %shift_right_arithmetic3A_8 = vector.broadcast %shift_right_arithmetic3A : i32 to vector<16xi32>
    %shift_right_arithmetic3A_9 = arith.shrsi %iota3A, %shift_right_arithmetic3A_8 : vector<16xi32>
    %eq3A = arith.constant 0 : i32
    %eq3A_10 = vector.broadcast %eq3A : i32 to vector<16xi32>
    %eq3A_11 = arith.cmpi eq, %shift_right_arithmetic3A_9, %eq3A_10 : vector<16xi32>
    %shift_right_arithmetic3A_12 = arith.constant 2 : i32
    %shift_right_arithmetic3A_13 = vector.broadcast %shift_right_arithmetic3A_12 : i32 to vector<16xi32>
    %shift_right_arithmetic3A_14 = arith.shrsi %iota3A, %shift_right_arithmetic3A_13 : vector<16xi32>
    %eq3A_15 = arith.constant 1 : i32
    %eq3A_16 = vector.broadcast %eq3A_15 : i32 to vector<16xi32>
    %eq3A_17 = arith.cmpi eq, %shift_right_arithmetic3A_14, %eq3A_16 : vector<16xi32>
    %shift_right_arithmetic3A_18 = arith.constant 2 : i32
    %shift_right_arithmetic3A_19 = vector.broadcast %shift_right_arithmetic3A_18 : i32 to vector<16xi32>
    %shift_right_arithmetic3A_20 = arith.shrsi %iota3A, %shift_right_arithmetic3A_19 : vector<16xi32>
    %eq3A_21 = arith.constant 2 : i32
    %eq3A_22 = vector.broadcast %eq3A_21 : i32 to vector<16xi32>
    %eq3A_23 = arith.cmpi eq, %shift_right_arithmetic3A_20, %eq3A_22 : vector<16xi32>
    %shift_right_arithmetic3A_24 = arith.constant 2 : i32
    %shift_right_arithmetic3A_25 = vector.broadcast %shift_right_arithmetic3A_24 : i32 to vector<16xi32>
    %shift_right_arithmetic3A_26 = arith.shrsi %iota3A, %shift_right_arithmetic3A_25 : vector<16xi32>
    %eq3A_27 = arith.constant 3 : i32
    %eq3A_28 = vector.broadcast %eq3A_27 : i32 to vector<16xi32>
    %eq3A_29 = arith.cmpi eq, %shift_right_arithmetic3A_26, %eq3A_28 : vector<16xi32>
    %scan3A = arith.constant 0 : i32
    %scan3A_30 = arith.constant 0 : i32
    %scan3A_31 = arith.constant 5 : i32
    %scan3A_32 = arith.addi %scan3A_30, %scan3A_31 : i32
    %scan3A_33 = arith.constant 1 : i32
    %scan3A_34 = scf.for %scan3A_296 = %scan3A_30 to %scan3A_32 step %scan3A_33 iter_args(%scan3A_297 = %scan3A) -> (i32)  : i32 {
      %mul3A_298 = arith.constant 160 : i32
      %mul3A_299 = arith.muli %arg1, %mul3A_298 : i32
      %mul3A_300 = arith.constant 32 : i32
      %mul3A_301 = arith.muli %scan3A_296, %mul3A_300 : i32
      %add3A_302 = arith.addi %mul3A_299, %mul3A_301 : i32
      "tpu.region"() ({
        %run_scoped3A = tpu.sem_alloc : memref<!tpu.dma_semaphore, #tpu.memory_space<semaphore_mem>>
        %dma_start3A = arith.constant 0 : i32
        %dma_start3A_309 = tpu.memref_slice %arg3[%add3A_302, %dma_start3A] : memref<2560x128xi32, #tpu.memory_space<hbm>> -> memref<32x128xi32, #tpu.memory_space<hbm>>
        %dma_start3A_310 = arith.constant 0 : i32
        %dma_start3A_311 = tpu.memref_slice %arg3[%add3A_302, %dma_start3A_310] : memref<2560x128xi32, #tpu.memory_space<hbm>> -> memref<32x128xi32, #tpu.memory_space<hbm>>
        tpu.enqueue_dma source(%dma_start3A_311 : memref<32x128xi32, #tpu.memory_space<hbm>>) target(%arg8 : memref<32x128xi32, #tpu.memory_space<vmem>>) target_semaphore(%run_scoped3A : memref<!tpu.dma_semaphore, #tpu.memory_space<semaphore_mem>>)
        %dma_wait3A = arith.constant 0 : i32
        %dma_wait3A_312 = tpu.memref_slice %arg3[%add3A_302, %dma_wait3A] : memref<2560x128xi32, #tpu.memory_space<hbm>> -> memref<32x128xi32, #tpu.memory_space<hbm>>
        %dma_wait3A_313 = arith.constant 0 : i32
        %dma_wait3A_314 = tpu.memref_slice %arg3[%add3A_302, %dma_wait3A_313] : memref<2560x128xi32, #tpu.memory_space<hbm>> -> memref<32x128xi32, #tpu.memory_space<hbm>>
        tpu.wait_dma2 semaphore(%run_scoped3A : memref<!tpu.dma_semaphore, #tpu.memory_space<semaphore_mem>>) src(%dma_wait3A_314 : memref<32x128xi32, #tpu.memory_space<hbm>>) dst(%arg8 : memref<32x128xi32, #tpu.memory_space<vmem>>)
        tpu.yield
      }) : () -> ()
      %scan3A_303 = arith.constant 0 : i32
      %scan3A_304 = arith.constant 32 : i32
      %scan3A_305 = arith.addi %scan3A_303, %scan3A_304 : i32
      %scan3A_306 = arith.constant 1 : i32
      %scan3A_307 = scf.for %scan3A_309 = %scan3A_303 to %scan3A_305 step %scan3A_306 iter_args(%scan3A_310 = %scan3A_297) -> (i32)  : i32 {
        %get3A_311 = arith.index_cast %scan3A_309 : i32 to index
        %get3A_312 = arith.constant 0 : index
        %get3A_313 = tpu.vector_load %arg8[%get3A_311, %get3A_312] {strides = array<i32>} : memref<32x128xi32, #tpu.memory_space<vmem>>, vector<16xi32>,
        %and3A_314 = arith.constant 16383 : i32
        %and3A_315 = vector.broadcast %and3A_314 : i32 to vector<16xi32>
        %and3A_316 = arith.andi %get3A_313, %and3A_315 : vector<16xi32>
        %ge3A = vector.broadcast %mul3A_0 : i32 to vector<16xi32>
        %ge3A_317 = arith.cmpi sge, %and3A_316, %ge3A : vector<16xi32>
        %add3A_318 = arith.constant 5120 : i32
        %add3A_319 = arith.addi %mul3A_0, %add3A_318 : i32
        %lt3A = vector.broadcast %add3A_319 : i32 to vector<16xi32>
        %lt3A_320 = arith.cmpi slt, %and3A_316, %lt3A : vector<16xi32>
        %and3A_321 = arith.andi %ge3A_317, %lt3A_320 : vector<16xi1>
        %sub3A_322 = vector.broadcast %mul3A_0 : i32 to vector<16xi32>
        %sub3A_323 = arith.subi %get3A_313, %sub3A_322 : vector<16xi32>
        %swap3A_324 = arith.index_cast %scan3A_310 : i32 to index
        %swap3A_325 = tpu.vector_load %arg9[%swap3A_324] masked %and3A_321 {strides = array<i32>} : memref<20992xi32, #tpu.memory_space<vmem>>, vector<16xi32>, vector<16xi1>
        tpu.vector_store %arg9[%swap3A_324], %sub3A_323 masked %and3A_321 {strides = array<i32>} : memref<20992xi32, #tpu.memory_space<vmem>>, vector<16xi32>, vector<16xi1>
        %convert_element_type3A = arith.extui %and3A_321 : vector<16xi1> to vector<16xi32>
        %reduce_sum3A = arith.constant true
        %reduce_sum3A_326 = vector.broadcast %reduce_sum3A : i1 to vector<16xi1>
        %reduce_sum3A_327 = tpu.scan <sum>, %convert_element_type3A masked %reduce_sum3A_326 : vector<16xi32>, vector<16xi1> -> vector<16xi32>
        %reduce_sum3A_328 = vector.extract %reduce_sum3A_327[15] : i32 from vector<16xi32>
        %add3A_329 = arith.addi %scan3A_310, %reduce_sum3A_328 : i32
        %get3A_330 = arith.index_cast %scan3A_309 : i32 to index
        %get3A_331 = arith.constant 16 : index
        %get3A_332 = tpu.vector_load %arg8[%get3A_330, %get3A_331] {strides = array<i32>} : memref<32x128xi32, #tpu.memory_space<vmem>>, vector<16xi32>,
        %and3A_333 = arith.constant 16383 : i32
        %and3A_334 = vector.broadcast %and3A_333 : i32 to vector<16xi32>
        %and3A_335 = arith.andi %get3A_332, %and3A_334 : vector<16xi32>
        %ge3A_336 = vector.broadcast %mul3A_0 : i32 to vector<16xi32>
        %ge3A_337 = arith.cmpi sge, %and3A_335, %ge3A_336 : vector<16xi32>
        %add3A_338 = arith.constant 5120 : i32
        %add3A_339 = arith.addi %mul3A_0, %add3A_338 : i32
        %lt3A_340 = vector.broadcast %add3A_339 : i32 to vector<16xi32>
        %lt3A_341 = arith.cmpi slt, %and3A_335, %lt3A_340 : vector<16xi32>
        %and3A_342 = arith.andi %ge3A_337, %lt3A_341 : vector<16xi1>
        %sub3A_343 = vector.broadcast %mul3A_0 : i32 to vector<16xi32>
        %sub3A_344 = arith.subi %get3A_332, %sub3A_343 : vector<16xi32>
        %swap3A_345 = arith.index_cast %add3A_329 : i32 to index
        %swap3A_346 = tpu.vector_load %arg9[%swap3A_345] masked %and3A_342 {strides = array<i32>} : memref<20992xi32, #tpu.memory_space<vmem>>, vector<16xi32>, vector<16xi1>
        tpu.vector_store %arg9[%swap3A_345], %sub3A_344 masked %and3A_342 {strides = array<i32>} : memref<20992xi32, #tpu.memory_space<vmem>>, vector<16xi32>, vector<16xi1>
        %convert_element_type3A_347 = arith.extui %and3A_342 : vector<16xi1> to vector<16xi32>
        %reduce_sum3A_348 = arith.constant true
        %reduce_sum3A_349 = vector.broadcast %reduce_sum3A_348 : i1 to vector<16xi1>
        %reduce_sum3A_350 = tpu.scan <sum>, %convert_element_type3A_347 masked %reduce_sum3A_349 : vector<16xi32>, vector<16xi1> -> vector<16xi32>
        %reduce_sum3A_351 = vector.extract %reduce_sum3A_350[15] : i32 from vector<16xi32>
        %add3A_352 = arith.addi %add3A_329, %reduce_sum3A_351 : i32
        %get3A_353 = arith.index_cast %scan3A_309 : i32 to index
        %get3A_354 = arith.constant 32 : index
        %get3A_355 = tpu.vector_load %arg8[%get3A_353, %get3A_354] {strides = array<i32>} : memref<32x128xi32, #tpu.memory_space<vmem>>, vector<16xi32>,
        %and3A_356 = arith.constant 16383 : i32
        %and3A_357 = vector.broadcast %and3A_356 : i32 to vector<16xi32>
        %and3A_358 = arith.andi %get3A_355, %and3A_357 : vector<16xi32>
        %ge3A_359 = vector.broadcast %mul3A_0 : i32 to vector<16xi32>
        %ge3A_360 = arith.cmpi sge, %and3A_358, %ge3A_359 : vector<16xi32>
        %add3A_361 = arith.constant 5120 : i32
        %add3A_362 = arith.addi %mul3A_0, %add3A_361 : i32
        %lt3A_363 = vector.broadcast %add3A_362 : i32 to vector<16xi32>
        %lt3A_364 = arith.cmpi slt, %and3A_358, %lt3A_363 : vector<16xi32>
        %and3A_365 = arith.andi %ge3A_360, %lt3A_364 : vector<16xi1>
        %sub3A_366 = vector.broadcast %mul3A_0 : i32 to vector<16xi32>
        %sub3A_367 = arith.subi %get3A_355, %sub3A_366 : vector<16xi32>
        %swap3A_368 = arith.index_cast %add3A_352 : i32 to index
        %swap3A_369 = tpu.vector_load %arg9[%swap3A_368] masked %and3A_365 {strides = array<i32>} : memref<20992xi32, #tpu.memory_space<vmem>>, vector<16xi32>, vector<16xi1>
        tpu.vector_store %arg9[%swap3A_368], %sub3A_367 masked %and3A_365 {strides = array<i32>} : memref<20992xi32, #tpu.memory_space<vmem>>, vector<16xi32>, vector<16xi1>
        %convert_element_type3A_370 = arith.extui %and3A_365 : vector<16xi1> to vector<16xi32>
        %reduce_sum3A_371 = arith.constant true
        %reduce_sum3A_372 = vector.broadcast %reduce_sum3A_371 : i1 to vector<16xi1>
        %reduce_sum3A_373 = tpu.scan <sum>, %convert_element_type3A_370 masked %reduce_sum3A_372 : vector<16xi32>, vector<16xi1> -> vector<16xi32>
        %reduce_sum3A_374 = vector.extract %reduce_sum3A_373[15] : i32 from vector<16xi32>
        %add3A_375 = arith.addi %add3A_352, %reduce_sum3A_374 : i32
        %get3A_376 = arith.index_cast %scan3A_309 : i32 to index
        %get3A_377 = arith.constant 48 : index
        %get3A_378 = tpu.vector_load %arg8[%get3A_376, %get3A_377] {strides = array<i32>} : memref<32x128xi32, #tpu.memory_space<vmem>>, vector<16xi32>,
        %and3A_379 = arith.constant 16383 : i32
        %and3A_380 = vector.broadcast %and3A_379 : i32 to vector<16xi32>
        %and3A_381 = arith.andi %get3A_378, %and3A_380 : vector<16xi32>
        %ge3A_382 = vector.broadcast %mul3A_0 : i32 to vector<16xi32>
        %ge3A_383 = arith.cmpi sge, %and3A_381, %ge3A_382 : vector<16xi32>
        %add3A_384 = arith.constant 5120 : i32
        %add3A_385 = arith.addi %mul3A_0, %add3A_384 : i32
        %lt3A_386 = vector.broadcast %add3A_385 : i32 to vector<16xi32>
        %lt3A_387 = arith.cmpi slt, %and3A_381, %lt3A_386 : vector<16xi32>
        %and3A_388 = arith.andi %ge3A_383, %lt3A_387 : vector<16xi1>
        %sub3A_389 = vector.broadcast %mul3A_0 : i32 to vector<16xi32>
        %sub3A_390 = arith.subi %get3A_378, %sub3A_389 : vector<16xi32>
        %swap3A_391 = arith.index_cast %add3A_375 : i32 to index
        %swap3A_392 = tpu.vector_load %arg9[%swap3A_391] masked %and3A_388 {strides = array<i32>} : memref<20992xi32, #tpu.memory_space<vmem>>, vector<16xi32>, vector<16xi1>
        tpu.vector_store %arg9[%swap3A_391], %sub3A_390 masked %and3A_388 {strides = array<i32>} : memref<20992xi32, #tpu.memory_space<vmem>>, vector<16xi32>, vector<16xi1>
        %convert_element_type3A_393 = arith.extui %and3A_388 : vector<16xi1> to vector<16xi32>
        %reduce_sum3A_394 = arith.constant true
        %reduce_sum3A_395 = vector.broadcast %reduce_sum3A_394 : i1 to vector<16xi1>
        %reduce_sum3A_396 = tpu.scan <sum>, %convert_element_type3A_393 masked %reduce_sum3A_395 : vector<16xi32>, vector<16xi1> -> vector<16xi32>
        %reduce_sum3A_397 = vector.extract %reduce_sum3A_396[15] : i32 from vector<16xi32>
        %add3A_398 = arith.addi %add3A_375, %reduce_sum3A_397 : i32
        %get3A_399 = arith.index_cast %scan3A_309 : i32 to index
        %get3A_400 = arith.constant 64 : index
        %get3A_401 = tpu.vector_load %arg8[%get3A_399, %get3A_400] {strides = array<i32>} : memref<32x128xi32, #tpu.memory_space<vmem>>, vector<16xi32>,
        %and3A_402 = arith.constant 16383 : i32
        %and3A_403 = vector.broadcast %and3A_402 : i32 to vector<16xi32>
        %and3A_404 = arith.andi %get3A_401, %and3A_403 : vector<16xi32>
        %ge3A_405 = vector.broadcast %mul3A_0 : i32 to vector<16xi32>
        %ge3A_406 = arith.cmpi sge, %and3A_404, %ge3A_405 : vector<16xi32>
        %add3A_407 = arith.constant 5120 : i32
        %add3A_408 = arith.addi %mul3A_0, %add3A_407 : i32
        %lt3A_409 = vector.broadcast %add3A_408 : i32 to vector<16xi32>
        %lt3A_410 = arith.cmpi slt, %and3A_404, %lt3A_409 : vector<16xi32>
        %and3A_411 = arith.andi %ge3A_406, %lt3A_410 : vector<16xi1>
        %sub3A_412 = vector.broadcast %mul3A_0 : i32 to vector<16xi32>
        %sub3A_413 = arith.subi %get3A_401, %sub3A_412 : vector<16xi32>
        %swap3A_414 = arith.index_cast %add3A_398 : i32 to index
        %swap3A_415 = tpu.vector_load %arg9[%swap3A_414] masked %and3A_411 {strides = array<i32>} : memref<20992xi32, #tpu.memory_space<vmem>>, vector<16xi32>, vector<16xi1>
        tpu.vector_store %arg9[%swap3A_414], %sub3A_413 masked %and3A_411 {strides = array<i32>} : memref<20992xi32, #tpu.memory_space<vmem>>, vector<16xi32>, vector<16xi1>
        %convert_element_type3A_416 = arith.extui %and3A_411 : vector<16xi1> to vector<16xi32>
        %reduce_sum3A_417 = arith.constant true
        %reduce_sum3A_418 = vector.broadcast %reduce_sum3A_417 : i1 to vector<16xi1>
        %reduce_sum3A_419 = tpu.scan <sum>, %convert_element_type3A_416 masked %reduce_sum3A_418 : vector<16xi32>, vector<16xi1> -> vector<16xi32>
        %reduce_sum3A_420 = vector.extract %reduce_sum3A_419[15] : i32 from vector<16xi32>
        %add3A_421 = arith.addi %add3A_398, %reduce_sum3A_420 : i32
        %get3A_422 = arith.index_cast %scan3A_309 : i32 to index
        %get3A_423 = arith.constant 80 : index
        %get3A_424 = tpu.vector_load %arg8[%get3A_422, %get3A_423] {strides = array<i32>} : memref<32x128xi32, #tpu.memory_space<vmem>>, vector<16xi32>,
        %and3A_425 = arith.constant 16383 : i32
        %and3A_426 = vector.broadcast %and3A_425 : i32 to vector<16xi32>
        %and3A_427 = arith.andi %get3A_424, %and3A_426 : vector<16xi32>
        %ge3A_428 = vector.broadcast %mul3A_0 : i32 to vector<16xi32>
        %ge3A_429 = arith.cmpi sge, %and3A_427, %ge3A_428 : vector<16xi32>
        %add3A_430 = arith.constant 5120 : i32
        %add3A_431 = arith.addi %mul3A_0, %add3A_430 : i32
        %lt3A_432 = vector.broadcast %add3A_431 : i32 to vector<16xi32>
        %lt3A_433 = arith.cmpi slt, %and3A_427, %lt3A_432 : vector<16xi32>
        %and3A_434 = arith.andi %ge3A_429, %lt3A_433 : vector<16xi1>
        %sub3A_435 = vector.broadcast %mul3A_0 : i32 to vector<16xi32>
        %sub3A_436 = arith.subi %get3A_424, %sub3A_435 : vector<16xi32>
        %swap3A_437 = arith.index_cast %add3A_421 : i32 to index
        %swap3A_438 = tpu.vector_load %arg9[%swap3A_437] masked %and3A_434 {strides = array<i32>} : memref<20992xi32, #tpu.memory_space<vmem>>, vector<16xi32>, vector<16xi1>
        tpu.vector_store %arg9[%swap3A_437], %sub3A_436 masked %and3A_434 {strides = array<i32>} : memref<20992xi32, #tpu.memory_space<vmem>>, vector<16xi32>, vector<16xi1>
        %convert_element_type3A_439 = arith.extui %and3A_434 : vector<16xi1> to vector<16xi32>
        %reduce_sum3A_440 = arith.constant true
        %reduce_sum3A_441 = vector.broadcast %reduce_sum3A_440 : i1 to vector<16xi1>
        %reduce_sum3A_442 = tpu.scan <sum>, %convert_element_type3A_439 masked %reduce_sum3A_441 : vector<16xi32>, vector<16xi1> -> vector<16xi32>
        %reduce_sum3A_443 = vector.extract %reduce_sum3A_442[15] : i32 from vector<16xi32>
        %add3A_444 = arith.addi %add3A_421, %reduce_sum3A_443 : i32
        %get3A_445 = arith.index_cast %scan3A_309 : i32 to index
        %get3A_446 = arith.constant 96 : index
        %get3A_447 = tpu.vector_load %arg8[%get3A_445, %get3A_446] {strides = array<i32>} : memref<32x128xi32, #tpu.memory_space<vmem>>, vector<16xi32>,
        %and3A_448 = arith.constant 16383 : i32
        %and3A_449 = vector.broadcast %and3A_448 : i32 to vector<16xi32>
        %and3A_450 = arith.andi %get3A_447, %and3A_449 : vector<16xi32>
        %ge3A_451 = vector.broadcast %mul3A_0 : i32 to vector<16xi32>
        %ge3A_452 = arith.cmpi sge, %and3A_450, %ge3A_451 : vector<16xi32>
        %add3A_453 = arith.constant 5120 : i32
        %add3A_454 = arith.addi %mul3A_0, %add3A_453 : i32
        %lt3A_455 = vector.broadcast %add3A_454 : i32 to vector<16xi32>
        %lt3A_456 = arith.cmpi slt, %and3A_450, %lt3A_455 : vector<16xi32>
        %and3A_457 = arith.andi %ge3A_452, %lt3A_456 : vector<16xi1>
        %sub3A_458 = vector.broadcast %mul3A_0 : i32 to vector<16xi32>
        %sub3A_459 = arith.subi %get3A_447, %sub3A_458 : vector<16xi32>
        %swap3A_460 = arith.index_cast %add3A_444 : i32 to index
        %swap3A_461 = tpu.vector_load %arg9[%swap3A_460] masked %and3A_457 {strides = array<i32>} : memref<20992xi32, #tpu.memory_space<vmem>>, vector<16xi32>, vector<16xi1>
        tpu.vector_store %arg9[%swap3A_460], %sub3A_459 masked %and3A_457 {strides = array<i32>} : memref<20992xi32, #tpu.memory_space<vmem>>, vector<16xi32>, vector<16xi1>
        %convert_element_type3A_462 = arith.extui %and3A_457 : vector<16xi1> to vector<16xi32>
        %reduce_sum3A_463 = arith.constant true
        %reduce_sum3A_464 = vector.broadcast %reduce_sum3A_463 : i1 to vector<16xi1>
        %reduce_sum3A_465 = tpu.scan <sum>, %convert_element_type3A_462 masked %reduce_sum3A_464 : vector<16xi32>, vector<16xi1> -> vector<16xi32>
        %reduce_sum3A_466 = vector.extract %reduce_sum3A_465[15] : i32 from vector<16xi32>
        %add3A_467 = arith.addi %add3A_444, %reduce_sum3A_466 : i32
        %get3A_468 = arith.index_cast %scan3A_309 : i32 to index
        %get3A_469 = arith.constant 112 : index
        %get3A_470 = tpu.vector_load %arg8[%get3A_468, %get3A_469] {strides = array<i32>} : memref<32x128xi32, #tpu.memory_space<vmem>>, vector<16xi32>,
        %and3A_471 = arith.constant 16383 : i32
        %and3A_472 = vector.broadcast %and3A_471 : i32 to vector<16xi32>
        %and3A_473 = arith.andi %get3A_470, %and3A_472 : vector<16xi32>
        %ge3A_474 = vector.broadcast %mul3A_0 : i32 to vector<16xi32>
        %ge3A_475 = arith.cmpi sge, %and3A_473, %ge3A_474 : vector<16xi32>
        %add3A_476 = arith.constant 5120 : i32
        %add3A_477 = arith.addi %mul3A_0, %add3A_476 : i32
        %lt3A_478 = vector.broadcast %add3A_477 : i32 to vector<16xi32>
        %lt3A_479 = arith.cmpi slt, %and3A_473, %lt3A_478 : vector<16xi32>
        %and3A_480 = arith.andi %ge3A_475, %lt3A_479 : vector<16xi1>
        %sub3A_481 = vector.broadcast %mul3A_0 : i32 to vector<16xi32>
        %sub3A_482 = arith.subi %get3A_470, %sub3A_481 : vector<16xi32>
        %swap3A_483 = arith.index_cast %add3A_467 : i32 to index
        %swap3A_484 = tpu.vector_load %arg9[%swap3A_483] masked %and3A_480 {strides = array<i32>} : memref<20992xi32, #tpu.memory_space<vmem>>, vector<16xi32>, vector<16xi1>
        tpu.vector_store %arg9[%swap3A_483], %sub3A_482 masked %and3A_480 {strides = array<i32>} : memref<20992xi32, #tpu.memory_space<vmem>>, vector<16xi32>, vector<16xi1>
        %convert_element_type3A_485 = arith.extui %and3A_480 : vector<16xi1> to vector<16xi32>
        %reduce_sum3A_486 = arith.constant true
        %reduce_sum3A_487 = vector.broadcast %reduce_sum3A_486 : i1 to vector<16xi1>
        %reduce_sum3A_488 = tpu.scan <sum>, %convert_element_type3A_485 masked %reduce_sum3A_487 : vector<16xi32>, vector<16xi1> -> vector<16xi32>
        %reduce_sum3A_489 = vector.extract %reduce_sum3A_488[15] : i32 from vector<16xi32>
        %add3A_490 = arith.addi %add3A_467, %reduce_sum3A_489 : i32
        scf.yield %add3A_490 : i32
      }
      %scan3A_308 = arith.constant 32 : i32
      scf.yield %scan3A_307 : i32
    }
    %scan3A_35 = arith.constant 5 : i32
    %add3A = arith.constant 0 : i32
    %add3A_36 = arith.addi %scan3A_34, %add3A : i32
    %add3A_37 = vector.broadcast %add3A_36 : i32 to vector<16xi32>
    %add3A_38 = arith.addi %add3A_37, %iota3A : vector<16xi32>
    tpu.vector_store_idx %arg9[%add3A_38], %broadcast_in_dim3A_7 : memref<20992xi32, #tpu.memory_space<vmem>>[vector<16xi32>], vector<16xi32>,
    %add3A_39 = arith.constant 16 : i32
    %add3A_40 = arith.addi %scan3A_34, %add3A_39 : i32
    %add3A_41 = vector.broadcast %add3A_40 : i32 to vector<16xi32>
    %add3A_42 = arith.addi %add3A_41, %iota3A : vector<16xi32>
    tpu.vector_store_idx %arg9[%add3A_42], %broadcast_in_dim3A_7 : memref<20992xi32, #tpu.memory_space<vmem>>[vector<16xi32>], vector<16xi32>,
    %add3A_43 = arith.constant 32 : i32
    %add3A_44 = arith.addi %scan3A_34, %add3A_43 : i32
    %add3A_45 = vector.broadcast %add3A_44 : i32 to vector<16xi32>
    %add3A_46 = arith.addi %add3A_45, %iota3A : vector<16xi32>
    tpu.vector_store_idx %arg9[%add3A_46], %broadcast_in_dim3A_7 : memref<20992xi32, #tpu.memory_space<vmem>>[vector<16xi32>], vector<16xi32>,
    %add3A_47 = arith.constant 48 : i32
    %add3A_48 = arith.addi %scan3A_34, %add3A_47 : i32
    %add3A_49 = vector.broadcast %add3A_48 : i32 to vector<16xi32>
    %add3A_50 = arith.addi %add3A_49, %iota3A : vector<16xi32>
    tpu.vector_store_idx %arg9[%add3A_50], %broadcast_in_dim3A_7 : memref<20992xi32, #tpu.memory_space<vmem>>[vector<16xi32>], vector<16xi32>,
    %add3A_51 = arith.constant 64 : i32
    %add3A_52 = arith.addi %scan3A_34, %add3A_51 : i32
    %add3A_53 = vector.broadcast %add3A_52 : i32 to vector<16xi32>
    %add3A_54 = arith.addi %add3A_53, %iota3A : vector<16xi32>
    tpu.vector_store_idx %arg9[%add3A_54], %broadcast_in_dim3A_7 : memref<20992xi32, #tpu.memory_space<vmem>>[vector<16xi32>], vector<16xi32>,
    %add3A_55 = arith.constant 80 : i32
    %add3A_56 = arith.addi %scan3A_34, %add3A_55 : i32
    %add3A_57 = vector.broadcast %add3A_56 : i32 to vector<16xi32>
    %add3A_58 = arith.addi %add3A_57, %iota3A : vector<16xi32>
    tpu.vector_store_idx %arg9[%add3A_58], %broadcast_in_dim3A_7 : memref<20992xi32, #tpu.memory_space<vmem>>[vector<16xi32>], vector<16xi32>,
    %add3A_59 = arith.constant 96 : i32
    %add3A_60 = arith.addi %scan3A_34, %add3A_59 : i32
    %add3A_61 = vector.broadcast %add3A_60 : i32 to vector<16xi32>
    %add3A_62 = arith.addi %add3A_61, %iota3A : vector<16xi32>
    tpu.vector_store_idx %arg9[%add3A_62], %broadcast_in_dim3A_7 : memref<20992xi32, #tpu.memory_space<vmem>>[vector<16xi32>], vector<16xi32>,
    %add3A_63 = arith.constant 112 : i32
    %add3A_64 = arith.addi %scan3A_34, %add3A_63 : i32
    %add3A_65 = vector.broadcast %add3A_64 : i32 to vector<16xi32>
    %add3A_66 = arith.addi %add3A_65, %iota3A : vector<16xi32>
    tpu.vector_store_idx %arg9[%add3A_66], %broadcast_in_dim3A_7 : memref<20992xi32, #tpu.memory_space<vmem>>[vector<16xi32>], vector<16xi32>,
    %add3A_67 = arith.constant 128 : i32
    %add3A_68 = arith.addi %scan3A_34, %add3A_67 : i32
    %add3A_69 = vector.broadcast %add3A_68 : i32 to vector<16xi32>
    %add3A_70 = arith.addi %add3A_69, %iota3A : vector<16xi32>
    tpu.vector_store_idx %arg9[%add3A_70], %broadcast_in_dim3A_7 : memref<20992xi32, #tpu.memory_space<vmem>>[vector<16xi32>], vector<16xi32>,
    %add3A_71 = arith.constant 144 : i32
    %add3A_72 = arith.addi %scan3A_34, %add3A_71 : i32
    %add3A_73 = vector.broadcast %add3A_72 : i32 to vector<16xi32>
    %add3A_74 = arith.addi %add3A_73, %iota3A : vector<16xi32>
    tpu.vector_store_idx %arg9[%add3A_74], %broadcast_in_dim3A_7 : memref<20992xi32, #tpu.memory_space<vmem>>[vector<16xi32>], vector<16xi32>,
    %add3A_75 = arith.constant 160 : i32
    %add3A_76 = arith.addi %scan3A_34, %add3A_75 : i32
    %add3A_77 = vector.broadcast %add3A_76 : i32 to vector<16xi32>
    %add3A_78 = arith.addi %add3A_77, %iota3A : vector<16xi32>
    tpu.vector_store_idx %arg9[%add3A_78], %broadcast_in_dim3A_7 : memref<20992xi32, #tpu.memory_space<vmem>>[vector<16xi32>], vector<16xi32>,
    %add3A_79 = arith.constant 176 : i32
    %add3A_80 = arith.addi %scan3A_34, %add3A_79 : i32
    %add3A_81 = vector.broadcast %add3A_80 : i32 to vector<16xi32>
    %add3A_82 = arith.addi %add3A_81, %iota3A : vector<16xi32>
    tpu.vector_store_idx %arg9[%add3A_82], %broadcast_in_dim3A_7 : memref<20992xi32, #tpu.memory_space<vmem>>[vector<16xi32>], vector<16xi32>,
    %add3A_83 = arith.constant 192 : i32
    %add3A_84 = arith.addi %scan3A_34, %add3A_83 : i32
    %add3A_85 = vector.broadcast %add3A_84 : i32 to vector<16xi32>
    %add3A_86 = arith.addi %add3A_85, %iota3A : vector<16xi32>
    tpu.vector_store_idx %arg9[%add3A_86], %broadcast_in_dim3A_7 : memref<20992xi32, #tpu.memory_space<vmem>>[vector<16xi32>], vector<16xi32>,
    %add3A_87 = arith.constant 208 : i32
    %add3A_88 = arith.addi %scan3A_34, %add3A_87 : i32
    %add3A_89 = vector.broadcast %add3A_88 : i32 to vector<16xi32>
    %add3A_90 = arith.addi %add3A_89, %iota3A : vector<16xi32>
    tpu.vector_store_idx %arg9[%add3A_90], %broadcast_in_dim3A_7 : memref<20992xi32, #tpu.memory_space<vmem>>[vector<16xi32>], vector<16xi32>,
    %add3A_91 = arith.constant 224 : i32
    %add3A_92 = arith.addi %scan3A_34, %add3A_91 : i32
    %add3A_93 = vector.broadcast %add3A_92 : i32 to vector<16xi32>
    %add3A_94 = arith.addi %add3A_93, %iota3A : vector<16xi32>
    tpu.vector_store_idx %arg9[%add3A_94], %broadcast_in_dim3A_7 : memref<20992xi32, #tpu.memory_space<vmem>>[vector<16xi32>], vector<16xi32>,
    %add3A_95 = arith.constant 240 : i32
    %add3A_96 = arith.addi %scan3A_34, %add3A_95 : i32
    %add3A_97 = vector.broadcast %add3A_96 : i32 to vector<16xi32>
    %add3A_98 = arith.addi %add3A_97, %iota3A : vector<16xi32>
    tpu.vector_store_idx %arg9[%add3A_98], %broadcast_in_dim3A_7 : memref<20992xi32, #tpu.memory_space<vmem>>[vector<16xi32>], vector<16xi32>,
    %add3A_99 = arith.constant 256 : i32
    %add3A_100 = arith.addi %scan3A_34, %add3A_99 : i32
    %add3A_101 = vector.broadcast %add3A_100 : i32 to vector<16xi32>
    %add3A_102 = arith.addi %add3A_101, %iota3A : vector<16xi32>
    tpu.vector_store_idx %arg9[%add3A_102], %broadcast_in_dim3A_7 : memref<20992xi32, #tpu.memory_space<vmem>>[vector<16xi32>], vector<16xi32>,
    %get3A = arith.constant 0 : index
    %get3A_103 = tpu.vector_load %arg9[%get3A] {strides = array<i32>} : memref<20992xi32, #tpu.memory_space<vmem>>, vector<16xi32>,
    %and3A_104 = arith.constant 16383 : i32
    %and3A_105 = vector.broadcast %and3A_104 : i32 to vector<16xi32>
    %and3A_106 = arith.andi %get3A_103, %and3A_105 : vector<16xi32>
    %shift_right_arithmetic3A_107 = arith.constant 14 : i32
    %shift_right_arithmetic3A_108 = vector.broadcast %shift_right_arithmetic3A_107 : i32 to vector<16xi32>
    %shift_right_arithmetic3A_109 = arith.shrsi %get3A_103, %shift_right_arithmetic3A_108 : vector<16xi32>
    %swap3A = arith.constant 0 : i32
    %swap3A_110 = arith.index_cast %swap3A : i32 to index
    %swap3A_111 = arith.constant 0 : index
    %swap3A_112 = tpu.vector_load %arg10[%swap3A_110, %swap3A_111] {strides = array<i32>} : memref<2x128xi32, #tpu.memory_space<vmem>>, vector<16xi32>,
    tpu.vector_store %arg10[%swap3A_110, %swap3A_111], %shift_right_arithmetic3A_109 {strides = array<i32>} : memref<2x128xi32, #tpu.memory_space<vmem>>, vector<16xi32>,
    %swap3A_113 = arith.constant 0 : i32
    %swap3A_114 = arith.index_cast %swap3A_113 : i32 to index
    %swap3A_115 = arith.constant 0 : index
    %swap3A_116 = tpu.vector_load %arg11[%swap3A_114, %swap3A_115] {strides = array<i32>} : memref<2x128xi32, #tpu.memory_space<vmem>>, vector<16xi32>,
    tpu.vector_store %arg11[%swap3A_114, %swap3A_115], %and3A_106 {strides = array<i32>} : memref<2x128xi32, #tpu.memory_space<vmem>>, vector<16xi32>,
    %mul3A_117 = arith.constant 5248 : i32
    %mul3A_118 = vector.broadcast %mul3A_117 : i32 to vector<16xi32>
    %mul3A_119 = arith.muli %and3A_4, %mul3A_118 : vector<16xi32>
    %add3A_120 = arith.addi %mul3A_119, %and3A_106 : vector<16xi32>
    tpu.vector_store_idx %arg13[%add3A_120], %broadcast_in_dim3A_5 masked %eq3A_11 {add = true} : memref<20992xf32, #tpu.memory_space<vmem>>[vector<16xi32>], vector<16xf32>, vector<16xi1>
    tpu.vector_store_idx %arg13[%add3A_120], %broadcast_in_dim3A_5 masked %eq3A_17 {add = true} : memref<20992xf32, #tpu.memory_space<vmem>>[vector<16xi32>], vector<16xf32>, vector<16xi1>
    tpu.vector_store_idx %arg13[%add3A_120], %broadcast_in_dim3A_5 masked %eq3A_23 {add = true} : memref<20992xf32, #tpu.memory_space<vmem>>[vector<16xi32>], vector<16xf32>, vector<16xi1>
    tpu.vector_store_idx %arg13[%add3A_120], %broadcast_in_dim3A_5 masked %eq3A_29 {add = true} : memref<20992xf32, #tpu.memory_space<vmem>>[vector<16xi32>], vector<16xf32>, vector<16xi1>
    %get3A_121 = arith.constant 16 : index
    %get3A_122 = tpu.vector_load %arg9[%get3A_121] {strides = array<i32>} : memref<20992xi32, #tpu.memory_space<vmem>>, vector<16xi32>,
    %and3A_123 = arith.constant 16383 : i32
    %and3A_124 = vector.broadcast %and3A_123 : i32 to vector<16xi32>
    %and3A_125 = arith.andi %get3A_122, %and3A_124 : vector<16xi32>
    %shift_right_arithmetic3A_126 = arith.constant 14 : i32
    %shift_right_arithmetic3A_127 = vector.broadcast %shift_right_arithmetic3A_126 : i32 to vector<16xi32>
    %shift_right_arithmetic3A_128 = arith.shrsi %get3A_122, %shift_right_arithmetic3A_127 : vector<16xi32>
    %swap3A_129 = arith.constant 0 : i32
    %swap3A_130 = arith.index_cast %swap3A_129 : i32 to index
    %swap3A_131 = arith.constant 16 : index
    %swap3A_132 = tpu.vector_load %arg10[%swap3A_130, %swap3A_131] {strides = array<i32>} : memref<2x128xi32, #tpu.memory_space<vmem>>, vector<16xi32>,
    tpu.vector_store %arg10[%swap3A_130, %swap3A_131], %shift_right_arithmetic3A_128 {strides = array<i32>} : memref<2x128xi32, #tpu.memory_space<vmem>>, vector<16xi32>,
    %swap3A_133 = arith.constant 0 : i32
    %swap3A_134 = arith.index_cast %swap3A_133 : i32 to index
    %swap3A_135 = arith.constant 16 : index
    %swap3A_136 = tpu.vector_load %arg11[%swap3A_134, %swap3A_135] {strides = array<i32>} : memref<2x128xi32, #tpu.memory_space<vmem>>, vector<16xi32>,
    tpu.vector_store %arg11[%swap3A_134, %swap3A_135], %and3A_125 {strides = array<i32>} : memref<2x128xi32, #tpu.memory_space<vmem>>, vector<16xi32>,
    %mul3A_137 = arith.constant 5248 : i32
    %mul3A_138 = vector.broadcast %mul3A_137 : i32 to vector<16xi32>
    %mul3A_139 = arith.muli %and3A_4, %mul3A_138 : vector<16xi32>
    %add3A_140 = arith.addi %mul3A_139, %and3A_125 : vector<16xi32>
    tpu.vector_store_idx %arg13[%add3A_140], %broadcast_in_dim3A_5 masked %eq3A_11 {add = true} : memref<20992xf32, #tpu.memory_space<vmem>>[vector<16xi32>], vector<16xf32>, vector<16xi1>
    tpu.vector_store_idx %arg13[%add3A_140], %broadcast_in_dim3A_5 masked %eq3A_17 {add = true} : memref<20992xf32, #tpu.memory_space<vmem>>[vector<16xi32>], vector<16xf32>, vector<16xi1>
    tpu.vector_store_idx %arg13[%add3A_140], %broadcast_in_dim3A_5 masked %eq3A_23 {add = true} : memref<20992xf32, #tpu.memory_space<vmem>>[vector<16xi32>], vector<16xf32>, vector<16xi1>
    tpu.vector_store_idx %arg13[%add3A_140], %broadcast_in_dim3A_5 masked %eq3A_29 {add = true} : memref<20992xf32, #tpu.memory_space<vmem>>[vector<16xi32>], vector<16xf32>, vector<16xi1>
    %get3A_141 = arith.constant 32 : index
    %get3A_142 = tpu.vector_load %arg9[%get3A_141] {strides = array<i32>} : memref<20992xi32, #tpu.memory_space<vmem>>, vector<16xi32>,
    %and3A_143 = arith.constant 16383 : i32
    %and3A_144 = vector.broadcast %and3A_143 : i32 to vector<16xi32>
    %and3A_145 = arith.andi %get3A_142, %and3A_144 : vector<16xi32>
    %shift_right_arithmetic3A_146 = arith.constant 14 : i32
    %shift_right_arithmetic3A_147 = vector.broadcast %shift_right_arithmetic3A_146 : i32 to vector<16xi32>
    %shift_right_arithmetic3A_148 = arith.shrsi %get3A_142, %shift_right_arithmetic3A_147 : vector<16xi32>
    %swap3A_149 = arith.constant 0 : i32
    %swap3A_150 = arith.index_cast %swap3A_149 : i32 to index
    %swap3A_151 = arith.constant 32 : index
    %swap3A_152 = tpu.vector_load %arg10[%swap3A_150, %swap3A_151] {strides = array<i32>} : memref<2x128xi32, #tpu.memory_space<vmem>>, vector<16xi32>,
    tpu.vector_store %arg10[%swap3A_150, %swap3A_151], %shift_right_arithmetic3A_148 {strides = array<i32>} : memref<2x128xi32, #tpu.memory_space<vmem>>, vector<16xi32>,
    %swap3A_153 = arith.constant 0 : i32
    %swap3A_154 = arith.index_cast %swap3A_153 : i32 to index
    %swap3A_155 = arith.constant 32 : index
    %swap3A_156 = tpu.vector_load %arg11[%swap3A_154, %swap3A_155] {strides = array<i32>} : memref<2x128xi32, #tpu.memory_space<vmem>>, vector<16xi32>,
    tpu.vector_store %arg11[%swap3A_154, %swap3A_155], %and3A_145 {strides = array<i32>} : memref<2x128xi32, #tpu.memory_space<vmem>>, vector<16xi32>,
    %mul3A_157 = arith.constant 5248 : i32
    %mul3A_158 = vector.broadcast %mul3A_157 : i32 to vector<16xi32>
    %mul3A_159 = arith.muli %and3A_4, %mul3A_158 : vector<16xi32>
    %add3A_160 = arith.addi %mul3A_159, %and3A_145 : vector<16xi32>
    tpu.vector_store_idx %arg13[%add3A_160], %broadcast_in_dim3A_5 masked %eq3A_11 {add = true} : memref<20992xf32, #tpu.memory_space<vmem>>[vector<16xi32>], vector<16xf32>, vector<16xi1>
    tpu.vector_store_idx %arg13[%add3A_160], %broadcast_in_dim3A_5 masked %eq3A_17 {add = true} : memref<20992xf32, #tpu.memory_space<vmem>>[vector<16xi32>], vector<16xf32>, vector<16xi1>
    tpu.vector_store_idx %arg13[%add3A_160], %broadcast_in_dim3A_5 masked %eq3A_23 {add = true} : memref<20992xf32, #tpu.memory_space<vmem>>[vector<16xi32>], vector<16xf32>, vector<16xi1>
    tpu.vector_store_idx %arg13[%add3A_160], %broadcast_in_dim3A_5 masked %eq3A_29 {add = true} : memref<20992xf32, #tpu.memory_space<vmem>>[vector<16xi32>], vector<16xf32>, vector<16xi1>
    %get3A_161 = arith.constant 48 : index
    %get3A_162 = tpu.vector_load %arg9[%get3A_161] {strides = array<i32>} : memref<20992xi32, #tpu.memory_space<vmem>>, vector<16xi32>,
    %and3A_163 = arith.constant 16383 : i32
    %and3A_164 = vector.broadcast %and3A_163 : i32 to vector<16xi32>
    %and3A_165 = arith.andi %get3A_162, %and3A_164 : vector<16xi32>
    %shift_right_arithmetic3A_166 = arith.constant 14 : i32
    %shift_right_arithmetic3A_167 = vector.broadcast %shift_right_arithmetic3A_166 : i32 to vector<16xi32>
    %shift_right_arithmetic3A_168 = arith.shrsi %get3A_162, %shift_right_arithmetic3A_167 : vector<16xi32>
    %swap3A_169 = arith.constant 0 : i32
    %swap3A_170 = arith.index_cast %swap3A_169 : i32 to index
    %swap3A_171 = arith.constant 48 : index
    %swap3A_172 = tpu.vector_load %arg10[%swap3A_170, %swap3A_171] {strides = array<i32>} : memref<2x128xi32, #tpu.memory_space<vmem>>, vector<16xi32>,
    tpu.vector_store %arg10[%swap3A_170, %swap3A_171], %shift_right_arithmetic3A_168 {strides = array<i32>} : memref<2x128xi32, #tpu.memory_space<vmem>>, vector<16xi32>,
    %swap3A_173 = arith.constant 0 : i32
    %swap3A_174 = arith.index_cast %swap3A_173 : i32 to index
    %swap3A_175 = arith.constant 48 : index
    %swap3A_176 = tpu.vector_load %arg11[%swap3A_174, %swap3A_175] {strides = array<i32>} : memref<2x128xi32, #tpu.memory_space<vmem>>, vector<16xi32>,
    tpu.vector_store %arg11[%swap3A_174, %swap3A_175], %and3A_165 {strides = array<i32>} : memref<2x128xi32, #tpu.memory_space<vmem>>, vector<16xi32>,
    %mul3A_177 = arith.constant 5248 : i32
    %mul3A_178 = vector.broadcast %mul3A_177 : i32 to vector<16xi32>
    %mul3A_179 = arith.muli %and3A_4, %mul3A_178 : vector<16xi32>
    %add3A_180 = arith.addi %mul3A_179, %and3A_165 : vector<16xi32>
    tpu.vector_store_idx %arg13[%add3A_180], %broadcast_in_dim3A_5 masked %eq3A_11 {add = true} : memref<20992xf32, #tpu.memory_space<vmem>>[vector<16xi32>], vector<16xf32>, vector<16xi1>
    tpu.vector_store_idx %arg13[%add3A_180], %broadcast_in_dim3A_5 masked %eq3A_17 {add = true} : memref<20992xf32, #tpu.memory_space<vmem>>[vector<16xi32>], vector<16xf32>, vector<16xi1>
    tpu.vector_store_idx %arg13[%add3A_180], %broadcast_in_dim3A_5 masked %eq3A_23 {add = true} : memref<20992xf32, #tpu.memory_space<vmem>>[vector<16xi32>], vector<16xf32>, vector<16xi1>
    tpu.vector_store_idx %arg13[%add3A_180], %broadcast_in_dim3A_5 masked %eq3A_29 {add = true} : memref<20992xf32, #tpu.memory_space<vmem>>[vector<16xi32>], vector<16xf32>, vector<16xi1>
    %get3A_181 = arith.constant 64 : index
    %get3A_182 = tpu.vector_load %arg9[%get3A_181] {strides = array<i32>} : memref<20992xi32, #tpu.memory_space<vmem>>, vector<16xi32>,
    %and3A_183 = arith.constant 16383 : i32
    %and3A_184 = vector.broadcast %and3A_183 : i32 to vector<16xi32>
    %and3A_185 = arith.andi %get3A_182, %and3A_184 : vector<16xi32>
    %shift_right_arithmetic3A_186 = arith.constant 14 : i32
    %shift_right_arithmetic3A_187 = vector.broadcast %shift_right_arithmetic3A_186 : i32 to vector<16xi32>
    %shift_right_arithmetic3A_188 = arith.shrsi %get3A_182, %shift_right_arithmetic3A_187 : vector<16xi32>
    %swap3A_189 = arith.constant 0 : i32
    %swap3A_190 = arith.index_cast %swap3A_189 : i32 to index
    %swap3A_191 = arith.constant 64 : index
    %swap3A_192 = tpu.vector_load %arg10[%swap3A_190, %swap3A_191] {strides = array<i32>} : memref<2x128xi32, #tpu.memory_space<vmem>>, vector<16xi32>,
    tpu.vector_store %arg10[%swap3A_190, %swap3A_191], %shift_right_arithmetic3A_188 {strides = array<i32>} : memref<2x128xi32, #tpu.memory_space<vmem>>, vector<16xi32>,
    %swap3A_193 = arith.constant 0 : i32
    %swap3A_194 = arith.index_cast %swap3A_193 : i32 to index
    %swap3A_195 = arith.constant 64 : index
    %swap3A_196 = tpu.vector_load %arg11[%swap3A_194, %swap3A_195] {strides = array<i32>} : memref<2x128xi32, #tpu.memory_space<vmem>>, vector<16xi32>,
    tpu.vector_store %arg11[%swap3A_194, %swap3A_195], %and3A_185 {strides = array<i32>} : memref<2x128xi32, #tpu.memory_space<vmem>>, vector<16xi32>,
    %mul3A_197 = arith.constant 5248 : i32
    %mul3A_198 = vector.broadcast %mul3A_197 : i32 to vector<16xi32>
    %mul3A_199 = arith.muli %and3A_4, %mul3A_198 : vector<16xi32>
    %add3A_200 = arith.addi %mul3A_199, %and3A_185 : vector<16xi32>
    tpu.vector_store_idx %arg13[%add3A_200], %broadcast_in_dim3A_5 masked %eq3A_11 {add = true} : memref<20992xf32, #tpu.memory_space<vmem>>[vector<16xi32>], vector<16xf32>, vector<16xi1>
    tpu.vector_store_idx %arg13[%add3A_200], %broadcast_in_dim3A_5 masked %eq3A_17 {add = true} : memref<20992xf32, #tpu.memory_space<vmem>>[vector<16xi32>], vector<16xf32>, vector<16xi1>
    tpu.vector_store_idx %arg13[%add3A_200], %broadcast_in_dim3A_5 masked %eq3A_23 {add = true} : memref<20992xf32, #tpu.memory_space<vmem>>[vector<16xi32>], vector<16xf32>, vector<16xi1>
    tpu.vector_store_idx %arg13[%add3A_200], %broadcast_in_dim3A_5 masked %eq3A_29 {add = true} : memref<20992xf32, #tpu.memory_space<vmem>>[vector<16xi32>], vector<16xf32>, vector<16xi1>
    %get3A_201 = arith.constant 80 : index
    %get3A_202 = tpu.vector_load %arg9[%get3A_201] {strides = array<i32>} : memref<20992xi32, #tpu.memory_space<vmem>>, vector<16xi32>,
    %and3A_203 = arith.constant 16383 : i32
    %and3A_204 = vector.broadcast %and3A_203 : i32 to vector<16xi32>
    %and3A_205 = arith.andi %get3A_202, %and3A_204 : vector<16xi32>
    %shift_right_arithmetic3A_206 = arith.constant 14 : i32
    %shift_right_arithmetic3A_207 = vector.broadcast %shift_right_arithmetic3A_206 : i32 to vector<16xi32>
    %shift_right_arithmetic3A_208 = arith.shrsi %get3A_202, %shift_right_arithmetic3A_207 : vector<16xi32>
    %swap3A_209 = arith.constant 0 : i32
    %swap3A_210 = arith.index_cast %swap3A_209 : i32 to index
    %swap3A_211 = arith.constant 80 : index
    %swap3A_212 = tpu.vector_load %arg10[%swap3A_210, %swap3A_211] {strides = array<i32>} : memref<2x128xi32, #tpu.memory_space<vmem>>, vector<16xi32>,
    tpu.vector_store %arg10[%swap3A_210, %swap3A_211], %shift_right_arithmetic3A_208 {strides = array<i32>} : memref<2x128xi32, #tpu.memory_space<vmem>>, vector<16xi32>,
    %swap3A_213 = arith.constant 0 : i32
    %swap3A_214 = arith.index_cast %swap3A_213 : i32 to index
    %swap3A_215 = arith.constant 80 : index
    %swap3A_216 = tpu.vector_load %arg11[%swap3A_214, %swap3A_215] {strides = array<i32>} : memref<2x128xi32, #tpu.memory_space<vmem>>, vector<16xi32>,
    tpu.vector_store %arg11[%swap3A_214, %swap3A_215], %and3A_205 {strides = array<i32>} : memref<2x128xi32, #tpu.memory_space<vmem>>, vector<16xi32>,
    %mul3A_217 = arith.constant 5248 : i32
    %mul3A_218 = vector.broadcast %mul3A_217 : i32 to vector<16xi32>
    %mul3A_219 = arith.muli %and3A_4, %mul3A_218 : vector<16xi32>
    %add3A_220 = arith.addi %mul3A_219, %and3A_205 : vector<16xi32>
    tpu.vector_store_idx %arg13[%add3A_220], %broadcast_in_dim3A_5 masked %eq3A_11 {add = true} : memref<20992xf32, #tpu.memory_space<vmem>>[vector<16xi32>], vector<16xf32>, vector<16xi1>
    tpu.vector_store_idx %arg13[%add3A_220], %broadcast_in_dim3A_5 masked %eq3A_17 {add = true} : memref<20992xf32, #tpu.memory_space<vmem>>[vector<16xi32>], vector<16xf32>, vector<16xi1>
    tpu.vector_store_idx %arg13[%add3A_220], %broadcast_in_dim3A_5 masked %eq3A_23 {add = true} : memref<20992xf32, #tpu.memory_space<vmem>>[vector<16xi32>], vector<16xf32>, vector<16xi1>
    tpu.vector_store_idx %arg13[%add3A_220], %broadcast_in_dim3A_5 masked %eq3A_29 {add = true} : memref<20992xf32, #tpu.memory_space<vmem>>[vector<16xi32>], vector<16xf32>, vector<16xi1>
    %get3A_221 = arith.constant 96 : index
    %get3A_222 = tpu.vector_load %arg9[%get3A_221] {strides = array<i32>} : memref<20992xi32, #tpu.memory_space<vmem>>, vector<16xi32>,
    %and3A_223 = arith.constant 16383 : i32
    %and3A_224 = vector.broadcast %and3A_223 : i32 to vector<16xi32>
    %and3A_225 = arith.andi %get3A_222, %and3A_224 : vector<16xi32>
    %shift_right_arithmetic3A_226 = arith.constant 14 : i32
    %shift_right_arithmetic3A_227 = vector.broadcast %shift_right_arithmetic3A_226 : i32 to vector<16xi32>
    %shift_right_arithmetic3A_228 = arith.shrsi %get3A_222, %shift_right_arithmetic3A_227 : vector<16xi32>
    %swap3A_229 = arith.constant 0 : i32
    %swap3A_230 = arith.index_cast %swap3A_229 : i32 to index
    %swap3A_231 = arith.constant 96 : index
    %swap3A_232 = tpu.vector_load %arg10[%swap3A_230, %swap3A_231] {strides = array<i32>} : memref<2x128xi32, #tpu.memory_space<vmem>>, vector<16xi32>,
    tpu.vector_store %arg10[%swap3A_230, %swap3A_231], %shift_right_arithmetic3A_228 {strides = array<i32>} : memref<2x128xi32, #tpu.memory_space<vmem>>, vector<16xi32>,
    %swap3A_233 = arith.constant 0 : i32
    %swap3A_234 = arith.index_cast %swap3A_233 : i32 to index
    %swap3A_235 = arith.constant 96 : index
    %swap3A_236 = tpu.vector_load %arg11[%swap3A_234, %swap3A_235] {strides = array<i32>} : memref<2x128xi32, #tpu.memory_space<vmem>>, vector<16xi32>,
    tpu.vector_store %arg11[%swap3A_234, %swap3A_235], %and3A_225 {strides = array<i32>} : memref<2x128xi32, #tpu.memory_space<vmem>>, vector<16xi32>,
    %mul3A_237 = arith.constant 5248 : i32
    %mul3A_238 = vector.broadcast %mul3A_237 : i32 to vector<16xi32>
    %mul3A_239 = arith.muli %and3A_4, %mul3A_238 : vector<16xi32>
    %add3A_240 = arith.addi %mul3A_239, %and3A_225 : vector<16xi32>
    tpu.vector_store_idx %arg13[%add3A_240], %broadcast_in_dim3A_5 masked %eq3A_11 {add = true} : memref<20992xf32, #tpu.memory_space<vmem>>[vector<16xi32>], vector<16xf32>, vector<16xi1>
    tpu.vector_store_idx %arg13[%add3A_240], %broadcast_in_dim3A_5 masked %eq3A_17 {add = true} : memref<20992xf32, #tpu.memory_space<vmem>>[vector<16xi32>], vector<16xf32>, vector<16xi1>
    tpu.vector_store_idx %arg13[%add3A_240], %broadcast_in_dim3A_5 masked %eq3A_23 {add = true} : memref<20992xf32, #tpu.memory_space<vmem>>[vector<16xi32>], vector<16xf32>, vector<16xi1>
    tpu.vector_store_idx %arg13[%add3A_240], %broadcast_in_dim3A_5 masked %eq3A_29 {add = true} : memref<20992xf32, #tpu.memory_space<vmem>>[vector<16xi32>], vector<16xf32>, vector<16xi1>
    %get3A_241 = arith.constant 112 : index
    %get3A_242 = tpu.vector_load %arg9[%get3A_241] {strides = array<i32>} : memref<20992xi32, #tpu.memory_space<vmem>>, vector<16xi32>,
    %and3A_243 = arith.constant 16383 : i32
    %and3A_244 = vector.broadcast %and3A_243 : i32 to vector<16xi32>
    %and3A_245 = arith.andi %get3A_242, %and3A_244 : vector<16xi32>
    %shift_right_arithmetic3A_246 = arith.constant 14 : i32
    %shift_right_arithmetic3A_247 = vector.broadcast %shift_right_arithmetic3A_246 : i32 to vector<16xi32>
    %shift_right_arithmetic3A_248 = arith.shrsi %get3A_242, %shift_right_arithmetic3A_247 : vector<16xi32>
    %swap3A_249 = arith.constant 0 : i32
    %swap3A_250 = arith.index_cast %swap3A_249 : i32 to index
    %swap3A_251 = arith.constant 112 : index
    %swap3A_252 = tpu.vector_load %arg10[%swap3A_250, %swap3A_251] {strides = array<i32>} : memref<2x128xi32, #tpu.memory_space<vmem>>, vector<16xi32>,
    tpu.vector_store %arg10[%swap3A_250, %swap3A_251], %shift_right_arithmetic3A_248 {strides = array<i32>} : memref<2x128xi32, #tpu.memory_space<vmem>>, vector<16xi32>,
    %swap3A_253 = arith.constant 0 : i32
    %swap3A_254 = arith.index_cast %swap3A_253 : i32 to index
    %swap3A_255 = arith.constant 112 : index
    %swap3A_256 = tpu.vector_load %arg11[%swap3A_254, %swap3A_255] {strides = array<i32>} : memref<2x128xi32, #tpu.memory_space<vmem>>, vector<16xi32>,
    tpu.vector_store %arg11[%swap3A_254, %swap3A_255], %and3A_245 {strides = array<i32>} : memref<2x128xi32, #tpu.memory_space<vmem>>, vector<16xi32>,
    %mul3A_257 = arith.constant 5248 : i32
    %mul3A_258 = vector.broadcast %mul3A_257 : i32 to vector<16xi32>
    %mul3A_259 = arith.muli %and3A_4, %mul3A_258 : vector<16xi32>
    %add3A_260 = arith.addi %mul3A_259, %and3A_245 : vector<16xi32>
    tpu.vector_store_idx %arg13[%add3A_260], %broadcast_in_dim3A_5 masked %eq3A_11 {add = true} : memref<20992xf32, #tpu.memory_space<vmem>>[vector<16xi32>], vector<16xf32>, vector<16xi1>
    tpu.vector_store_idx %arg13[%add3A_260], %broadcast_in_dim3A_5 masked %eq3A_17 {add = true} : memref<20992xf32, #tpu.memory_space<vmem>>[vector<16xi32>], vector<16xf32>, vector<16xi1>
    tpu.vector_store_idx %arg13[%add3A_260], %broadcast_in_dim3A_5 masked %eq3A_23 {add = true} : memref<20992xf32, #tpu.memory_space<vmem>>[vector<16xi32>], vector<16xf32>, vector<16xi1>
    tpu.vector_store_idx %arg13[%add3A_260], %broadcast_in_dim3A_5 masked %eq3A_29 {add = true} : memref<20992xf32, #tpu.memory_space<vmem>>[vector<16xi32>], vector<16xf32>, vector<16xi1>
    %add3A_261 = arith.constant 127 : i32
    %add3A_262 = arith.addi %scan3A_34, %add3A_261 : i32
    %jit3A = arith.constant 128 : i32
    %div3A = arith.divsi %add3A_262, %jit3A : i32
    %sign3A = arith.constant 0 : i32
    %sign3A_263 = arith.cmpi sgt, %add3A_262, %sign3A : i32
    %sign3A_264 = arith.extui %sign3A_263 : i1 to i32
    %sign3A_265 = arith.constant 0 : i32
    %sign3A_266 = arith.cmpi slt, %add3A_262, %sign3A_265 : i32
    %sign3A_267 = arith.extui %sign3A_266 : i1 to i32
    %sign3A_268 = arith.subi %sign3A_264, %sign3A_267 : i32
    %sign3A_269 = arith.constant 0 : i32
    %sign3A_270 = arith.cmpi sgt, %jit3A, %sign3A_269 : i32
    %sign3A_271 = arith.extui %sign3A_270 : i1 to i32
    %sign3A_272 = arith.constant 0 : i32
    %sign3A_273 = arith.cmpi slt, %jit3A, %sign3A_272 : i32
    %sign3A_274 = arith.extui %sign3A_273 : i1 to i32
    %sign3A_275 = arith.subi %sign3A_271, %sign3A_274 : i32
    %ne3A = arith.cmpi ne, %sign3A_268, %sign3A_275 : i32
    %rem3A = arith.remsi %add3A_262, %jit3A : i32
    %ne3A_276 = arith.constant 0 : i32
    %ne3A_277 = arith.cmpi ne, %rem3A, %ne3A_276 : i32
    %and3A_278 = arith.andi %ne3A, %ne3A_277 : i1
    %sub3A = arith.constant 1 : i32
    %sub3A_279 = arith.subi %div3A, %sub3A : i32
    %select_n3A = arith.select %and3A_278, %sub3A_279, %div3A : i32
    %while3A = arith.constant 0 : i32
    %while3A_280 = arith.subi %select_n3A, %while3A : i32
    %while3A_281 = arith.addi %while3A, %while3A_280 : i32
    %while3A_282 = arith.constant 1 : i32
    %while3A_283 = arith.divsi %while3A_280, %while3A_282 : i32
    %while3A_284 = arith.muli %while3A_283, %while3A_282 : i32
    %while3A_285 = arith.addi %while3A, %while3A_284 : i32
    %while3A_286 = arith.constant 1 : i32
    scf.for %while3A_296 = %while3A to %while3A_285 step %while3A_286  : i32 {
      %and3A_297 = arith.constant 1 : i32
      %and3A_298 = arith.andi %while3A_296, %and3A_297 : i32
      %dma_start3A = arith.constant 0 : i32
      %dma_start3A_299 = tpu.memref_slice %arg10[%and3A_298, %dma_start3A] : memref<2x128xi32, #tpu.memory_space<vmem>> -> memref<1x128xi32, #tpu.memory_space<vmem>>
      %dma_start3A_300 = tpu.memref_squeeze %dma_start3A_299 : memref<1x128xi32, #tpu.memory_space<vmem>> -> memref<128xi32, #tpu.memory_space<vmem>>
      %dma_start3A_301 = arith.constant 0 : i32
      %dma_start3A_302 = arith.constant 0 : i32
      %dma_start3A_303 = tpu.memref_slice %arg2[%dma_start3A_301, %dma_start3A_302] : memref<10000x128xf32, #tpu.memory_space<hbm>> -> memref<10000x128xf32, #tpu.memory_space<hbm>>
      tpu.enqueue_indirect_dma source(%dma_start3A_303 : memref<10000x128xf32, #tpu.memory_space<hbm>>) target(%arg12 : memref<128x128xf32, #tpu.memory_space<vmem>>) offsets(%dma_start3A_300 : memref<128xi32, #tpu.memory_space<vmem>>) semaphore(%arg16 : memref<!tpu.dma_semaphore, #tpu.memory_space<semaphore_mem>>)
      %add3A_304 = arith.constant 1 : i32
      %add3A_305 = arith.addi %while3A_296, %add3A_304 : i32
      %sub3A_306 = arith.constant 1 : i32
      %sub3A_307 = arith.subi %sub3A_306, %and3A_298 : i32
      %mul3A_308 = arith.constant 128 : i32
      %mul3A_309 = arith.muli %add3A_305, %mul3A_308 : i32
      %add3A_310 = arith.constant 0 : i32
      %add3A_311 = arith.addi %mul3A_309, %add3A_310 : i32
      %get3A_312 = arith.index_cast %add3A_311 : i32 to index
      %get3A_313 = tpu.vector_load %arg9[%get3A_312] {strides = array<i32>} : memref<20992xi32, #tpu.memory_space<vmem>>, vector<16xi32>,
      %and3A_314 = arith.constant 16383 : i32
      %and3A_315 = vector.broadcast %and3A_314 : i32 to vector<16xi32>
      %and3A_316 = arith.andi %get3A_313, %and3A_315 : vector<16xi32>
      %shift_right_arithmetic3A_317 = arith.constant 14 : i32
      %shift_right_arithmetic3A_318 = vector.broadcast %shift_right_arithmetic3A_317 : i32 to vector<16xi32>
      %shift_right_arithmetic3A_319 = arith.shrsi %get3A_313, %shift_right_arithmetic3A_318 : vector<16xi32>
      %swap3A_320 = arith.index_cast %sub3A_307 : i32 to index
      %swap3A_321 = arith.constant 0 : index
      %swap3A_322 = tpu.vector_load %arg10[%swap3A_320, %swap3A_321] {strides = array<i32>} : memref<2x128xi32, #tpu.memory_space<vmem>>, vector<16xi32>,
      tpu.vector_store %arg10[%swap3A_320, %swap3A_321], %shift_right_arithmetic3A_319 {strides = array<i32>} : memref<2x128xi32, #tpu.memory_space<vmem>>, vector<16xi32>,
      %swap3A_323 = arith.index_cast %sub3A_307 : i32 to index
      %swap3A_324 = arith.constant 0 : index
      %swap3A_325 = tpu.vector_load %arg11[%swap3A_323, %swap3A_324] {strides = array<i32>} : memref<2x128xi32, #tpu.memory_space<vmem>>, vector<16xi32>,
      tpu.vector_store %arg11[%swap3A_323, %swap3A_324], %and3A_316 {strides = array<i32>} : memref<2x128xi32, #tpu.memory_space<vmem>>, vector<16xi32>,
      %mul3A_326 = arith.constant 5248 : i32
      %mul3A_327 = vector.broadcast %mul3A_326 : i32 to vector<16xi32>
      %mul3A_328 = arith.muli %and3A_4, %mul3A_327 : vector<16xi32>
      %add3A_329 = arith.addi %mul3A_328, %and3A_316 : vector<16xi32>
      tpu.vector_store_idx %arg13[%add3A_329], %broadcast_in_dim3A_5 masked %eq3A_11 {add = true} : memref<20992xf32, #tpu.memory_space<vmem>>[vector<16xi32>], vector<16xf32>, vector<16xi1>
      tpu.vector_store_idx %arg13[%add3A_329], %broadcast_in_dim3A_5 masked %eq3A_17 {add = true} : memref<20992xf32, #tpu.memory_space<vmem>>[vector<16xi32>], vector<16xf32>, vector<16xi1>
      tpu.vector_store_idx %arg13[%add3A_329], %broadcast_in_dim3A_5 masked %eq3A_23 {add = true} : memref<20992xf32, #tpu.memory_space<vmem>>[vector<16xi32>], vector<16xf32>, vector<16xi1>
      tpu.vector_store_idx %arg13[%add3A_329], %broadcast_in_dim3A_5 masked %eq3A_29 {add = true} : memref<20992xf32, #tpu.memory_space<vmem>>[vector<16xi32>], vector<16xf32>, vector<16xi1>
      %mul3A_330 = arith.constant 128 : i32
      %mul3A_331 = arith.muli %add3A_305, %mul3A_330 : i32
      %add3A_332 = arith.constant 16 : i32
      %add3A_333 = arith.addi %mul3A_331, %add3A_332 : i32
      %get3A_334 = arith.index_cast %add3A_333 : i32 to index
      %get3A_335 = tpu.vector_load %arg9[%get3A_334] {strides = array<i32>} : memref<20992xi32, #tpu.memory_space<vmem>>, vector<16xi32>,
      %and3A_336 = arith.constant 16383 : i32
      %and3A_337 = vector.broadcast %and3A_336 : i32 to vector<16xi32>
      %and3A_338 = arith.andi %get3A_335, %and3A_337 : vector<16xi32>
      %shift_right_arithmetic3A_339 = arith.constant 14 : i32
      %shift_right_arithmetic3A_340 = vector.broadcast %shift_right_arithmetic3A_339 : i32 to vector<16xi32>
      %shift_right_arithmetic3A_341 = arith.shrsi %get3A_335, %shift_right_arithmetic3A_340 : vector<16xi32>
      %swap3A_342 = arith.index_cast %sub3A_307 : i32 to index
      %swap3A_343 = arith.constant 16 : index
      %swap3A_344 = tpu.vector_load %arg10[%swap3A_342, %swap3A_343] {strides = array<i32>} : memref<2x128xi32, #tpu.memory_space<vmem>>, vector<16xi32>,
      tpu.vector_store %arg10[%swap3A_342, %swap3A_343], %shift_right_arithmetic3A_341 {strides = array<i32>} : memref<2x128xi32, #tpu.memory_space<vmem>>, vector<16xi32>,
      %swap3A_345 = arith.index_cast %sub3A_307 : i32 to index
      %swap3A_346 = arith.constant 16 : index
      %swap3A_347 = tpu.vector_load %arg11[%swap3A_345, %swap3A_346] {strides = array<i32>} : memref<2x128xi32, #tpu.memory_space<vmem>>, vector<16xi32>,
      tpu.vector_store %arg11[%swap3A_345, %swap3A_346], %and3A_338 {strides = array<i32>} : memref<2x128xi32, #tpu.memory_space<vmem>>, vector<16xi32>,
      %mul3A_348 = arith.constant 5248 : i32
      %mul3A_349 = vector.broadcast %mul3A_348 : i32 to vector<16xi32>
      %mul3A_350 = arith.muli %and3A_4, %mul3A_349 : vector<16xi32>
      %add3A_351 = arith.addi %mul3A_350, %and3A_338 : vector<16xi32>
      tpu.vector_store_idx %arg13[%add3A_351], %broadcast_in_dim3A_5 masked %eq3A_11 {add = true} : memref<20992xf32, #tpu.memory_space<vmem>>[vector<16xi32>], vector<16xf32>, vector<16xi1>
      tpu.vector_store_idx %arg13[%add3A_351], %broadcast_in_dim3A_5 masked %eq3A_17 {add = true} : memref<20992xf32, #tpu.memory_space<vmem>>[vector<16xi32>], vector<16xf32>, vector<16xi1>
      tpu.vector_store_idx %arg13[%add3A_351], %broadcast_in_dim3A_5 masked %eq3A_23 {add = true} : memref<20992xf32, #tpu.memory_space<vmem>>[vector<16xi32>], vector<16xf32>, vector<16xi1>
      tpu.vector_store_idx %arg13[%add3A_351], %broadcast_in_dim3A_5 masked %eq3A_29 {add = true} : memref<20992xf32, #tpu.memory_space<vmem>>[vector<16xi32>], vector<16xf32>, vector<16xi1>
      %mul3A_352 = arith.constant 128 : i32
      %mul3A_353 = arith.muli %add3A_305, %mul3A_352 : i32
      %add3A_354 = arith.constant 32 : i32
      %add3A_355 = arith.addi %mul3A_353, %add3A_354 : i32
      %get3A_356 = arith.index_cast %add3A_355 : i32 to index
      %get3A_357 = tpu.vector_load %arg9[%get3A_356] {strides = array<i32>} : memref<20992xi32, #tpu.memory_space<vmem>>, vector<16xi32>,
      %and3A_358 = arith.constant 16383 : i32
      %and3A_359 = vector.broadcast %and3A_358 : i32 to vector<16xi32>
      %and3A_360 = arith.andi %get3A_357, %and3A_359 : vector<16xi32>
      %shift_right_arithmetic3A_361 = arith.constant 14 : i32
      %shift_right_arithmetic3A_362 = vector.broadcast %shift_right_arithmetic3A_361 : i32 to vector<16xi32>
      %shift_right_arithmetic3A_363 = arith.shrsi %get3A_357, %shift_right_arithmetic3A_362 : vector<16xi32>
      %swap3A_364 = arith.index_cast %sub3A_307 : i32 to index
      %swap3A_365 = arith.constant 32 : index
      %swap3A_366 = tpu.vector_load %arg10[%swap3A_364, %swap3A_365] {strides = array<i32>} : memref<2x128xi32, #tpu.memory_space<vmem>>, vector<16xi32>,
      tpu.vector_store %arg10[%swap3A_364, %swap3A_365], %shift_right_arithmetic3A_363 {strides = array<i32>} : memref<2x128xi32, #tpu.memory_space<vmem>>, vector<16xi32>,
      %swap3A_367 = arith.index_cast %sub3A_307 : i32 to index
      %swap3A_368 = arith.constant 32 : index
      %swap3A_369 = tpu.vector_load %arg11[%swap3A_367, %swap3A_368] {strides = array<i32>} : memref<2x128xi32, #tpu.memory_space<vmem>>, vector<16xi32>,
      tpu.vector_store %arg11[%swap3A_367, %swap3A_368], %and3A_360 {strides = array<i32>} : memref<2x128xi32, #tpu.memory_space<vmem>>, vector<16xi32>,
      %mul3A_370 = arith.constant 5248 : i32
      %mul3A_371 = vector.broadcast %mul3A_370 : i32 to vector<16xi32>
      %mul3A_372 = arith.muli %and3A_4, %mul3A_371 : vector<16xi32>
      %add3A_373 = arith.addi %mul3A_372, %and3A_360 : vector<16xi32>
      tpu.vector_store_idx %arg13[%add3A_373], %broadcast_in_dim3A_5 masked %eq3A_11 {add = true} : memref<20992xf32, #tpu.memory_space<vmem>>[vector<16xi32>], vector<16xf32>, vector<16xi1>
      tpu.vector_store_idx %arg13[%add3A_373], %broadcast_in_dim3A_5 masked %eq3A_17 {add = true} : memref<20992xf32, #tpu.memory_space<vmem>>[vector<16xi32>], vector<16xf32>, vector<16xi1>
      tpu.vector_store_idx %arg13[%add3A_373], %broadcast_in_dim3A_5 masked %eq3A_23 {add = true} : memref<20992xf32, #tpu.memory_space<vmem>>[vector<16xi32>], vector<16xf32>, vector<16xi1>
      tpu.vector_store_idx %arg13[%add3A_373], %broadcast_in_dim3A_5 masked %eq3A_29 {add = true} : memref<20992xf32, #tpu.memory_space<vmem>>[vector<16xi32>], vector<16xf32>, vector<16xi1>
      %mul3A_374 = arith.constant 128 : i32
      %mul3A_375 = arith.muli %add3A_305, %mul3A_374 : i32
      %add3A_376 = arith.constant 48 : i32
      %add3A_377 = arith.addi %mul3A_375, %add3A_376 : i32
      %get3A_378 = arith.index_cast %add3A_377 : i32 to index
      %get3A_379 = tpu.vector_load %arg9[%get3A_378] {strides = array<i32>} : memref<20992xi32, #tpu.memory_space<vmem>>, vector<16xi32>,
      %and3A_380 = arith.constant 16383 : i32
      %and3A_381 = vector.broadcast %and3A_380 : i32 to vector<16xi32>
      %and3A_382 = arith.andi %get3A_379, %and3A_381 : vector<16xi32>
      %shift_right_arithmetic3A_383 = arith.constant 14 : i32
      %shift_right_arithmetic3A_384 = vector.broadcast %shift_right_arithmetic3A_383 : i32 to vector<16xi32>
      %shift_right_arithmetic3A_385 = arith.shrsi %get3A_379, %shift_right_arithmetic3A_384 : vector<16xi32>
      %swap3A_386 = arith.index_cast %sub3A_307 : i32 to index
      %swap3A_387 = arith.constant 48 : index
      %swap3A_388 = tpu.vector_load %arg10[%swap3A_386, %swap3A_387] {strides = array<i32>} : memref<2x128xi32, #tpu.memory_space<vmem>>, vector<16xi32>,
      tpu.vector_store %arg10[%swap3A_386, %swap3A_387], %shift_right_arithmetic3A_385 {strides = array<i32>} : memref<2x128xi32, #tpu.memory_space<vmem>>, vector<16xi32>,
      %swap3A_389 = arith.index_cast %sub3A_307 : i32 to index
      %swap3A_390 = arith.constant 48 : index
      %swap3A_391 = tpu.vector_load %arg11[%swap3A_389, %swap3A_390] {strides = array<i32>} : memref<2x128xi32, #tpu.memory_space<vmem>>, vector<16xi32>,
      tpu.vector_store %arg11[%swap3A_389, %swap3A_390], %and3A_382 {strides = array<i32>} : memref<2x128xi32, #tpu.memory_space<vmem>>, vector<16xi32>,
      %mul3A_392 = arith.constant 5248 : i32
      %mul3A_393 = vector.broadcast %mul3A_392 : i32 to vector<16xi32>
      %mul3A_394 = arith.muli %and3A_4, %mul3A_393 : vector<16xi32>
      %add3A_395 = arith.addi %mul3A_394, %and3A_382 : vector<16xi32>
      tpu.vector_store_idx %arg13[%add3A_395], %broadcast_in_dim3A_5 masked %eq3A_11 {add = true} : memref<20992xf32, #tpu.memory_space<vmem>>[vector<16xi32>], vector<16xf32>, vector<16xi1>
      tpu.vector_store_idx %arg13[%add3A_395], %broadcast_in_dim3A_5 masked %eq3A_17 {add = true} : memref<20992xf32, #tpu.memory_space<vmem>>[vector<16xi32>], vector<16xf32>, vector<16xi1>
      tpu.vector_store_idx %arg13[%add3A_395], %broadcast_in_dim3A_5 masked %eq3A_23 {add = true} : memref<20992xf32, #tpu.memory_space<vmem>>[vector<16xi32>], vector<16xf32>, vector<16xi1>
      tpu.vector_store_idx %arg13[%add3A_395], %broadcast_in_dim3A_5 masked %eq3A_29 {add = true} : memref<20992xf32, #tpu.memory_space<vmem>>[vector<16xi32>], vector<16xf32>, vector<16xi1>
      %mul3A_396 = arith.constant 128 : i32
      %mul3A_397 = arith.muli %add3A_305, %mul3A_396 : i32
      %add3A_398 = arith.constant 64 : i32
      %add3A_399 = arith.addi %mul3A_397, %add3A_398 : i32
      %get3A_400 = arith.index_cast %add3A_399 : i32 to index
      %get3A_401 = tpu.vector_load %arg9[%get3A_400] {strides = array<i32>} : memref<20992xi32, #tpu.memory_space<vmem>>, vector<16xi32>,
      %and3A_402 = arith.constant 16383 : i32
      %and3A_403 = vector.broadcast %and3A_402 : i32 to vector<16xi32>
      %and3A_404 = arith.andi %get3A_401, %and3A_403 : vector<16xi32>
      %shift_right_arithmetic3A_405 = arith.constant 14 : i32
      %shift_right_arithmetic3A_406 = vector.broadcast %shift_right_arithmetic3A_405 : i32 to vector<16xi32>
      %shift_right_arithmetic3A_407 = arith.shrsi %get3A_401, %shift_right_arithmetic3A_406 : vector<16xi32>
      %swap3A_408 = arith.index_cast %sub3A_307 : i32 to index
      %swap3A_409 = arith.constant 64 : index
      %swap3A_410 = tpu.vector_load %arg10[%swap3A_408, %swap3A_409] {strides = array<i32>} : memref<2x128xi32, #tpu.memory_space<vmem>>, vector<16xi32>,
      tpu.vector_store %arg10[%swap3A_408, %swap3A_409], %shift_right_arithmetic3A_407 {strides = array<i32>} : memref<2x128xi32, #tpu.memory_space<vmem>>, vector<16xi32>,
      %swap3A_411 = arith.index_cast %sub3A_307 : i32 to index
      %swap3A_412 = arith.constant 64 : index
      %swap3A_413 = tpu.vector_load %arg11[%swap3A_411, %swap3A_412] {strides = array<i32>} : memref<2x128xi32, #tpu.memory_space<vmem>>, vector<16xi32>,
      tpu.vector_store %arg11[%swap3A_411, %swap3A_412], %and3A_404 {strides = array<i32>} : memref<2x128xi32, #tpu.memory_space<vmem>>, vector<16xi32>,
      %mul3A_414 = arith.constant 5248 : i32
      %mul3A_415 = vector.broadcast %mul3A_414 : i32 to vector<16xi32>
      %mul3A_416 = arith.muli %and3A_4, %mul3A_415 : vector<16xi32>
      %add3A_417 = arith.addi %mul3A_416, %and3A_404 : vector<16xi32>
      tpu.vector_store_idx %arg13[%add3A_417], %broadcast_in_dim3A_5 masked %eq3A_11 {add = true} : memref<20992xf32, #tpu.memory_space<vmem>>[vector<16xi32>], vector<16xf32>, vector<16xi1>
      tpu.vector_store_idx %arg13[%add3A_417], %broadcast_in_dim3A_5 masked %eq3A_17 {add = true} : memref<20992xf32, #tpu.memory_space<vmem>>[vector<16xi32>], vector<16xf32>, vector<16xi1>
      tpu.vector_store_idx %arg13[%add3A_417], %broadcast_in_dim3A_5 masked %eq3A_23 {add = true} : memref<20992xf32, #tpu.memory_space<vmem>>[vector<16xi32>], vector<16xf32>, vector<16xi1>
      tpu.vector_store_idx %arg13[%add3A_417], %broadcast_in_dim3A_5 masked %eq3A_29 {add = true} : memref<20992xf32, #tpu.memory_space<vmem>>[vector<16xi32>], vector<16xf32>, vector<16xi1>
      %mul3A_418 = arith.constant 128 : i32
      %mul3A_419 = arith.muli %add3A_305, %mul3A_418 : i32
      %add3A_420 = arith.constant 80 : i32
      %add3A_421 = arith.addi %mul3A_419, %add3A_420 : i32
      %get3A_422 = arith.index_cast %add3A_421 : i32 to index
      %get3A_423 = tpu.vector_load %arg9[%get3A_422] {strides = array<i32>} : memref<20992xi32, #tpu.memory_space<vmem>>, vector<16xi32>,
      %and3A_424 = arith.constant 16383 : i32
      %and3A_425 = vector.broadcast %and3A_424 : i32 to vector<16xi32>
      %and3A_426 = arith.andi %get3A_423, %and3A_425 : vector<16xi32>
      %shift_right_arithmetic3A_427 = arith.constant 14 : i32
      %shift_right_arithmetic3A_428 = vector.broadcast %shift_right_arithmetic3A_427 : i32 to vector<16xi32>
      %shift_right_arithmetic3A_429 = arith.shrsi %get3A_423, %shift_right_arithmetic3A_428 : vector<16xi32>
      %swap3A_430 = arith.index_cast %sub3A_307 : i32 to index
      %swap3A_431 = arith.constant 80 : index
      %swap3A_432 = tpu.vector_load %arg10[%swap3A_430, %swap3A_431] {strides = array<i32>} : memref<2x128xi32, #tpu.memory_space<vmem>>, vector<16xi32>,
      tpu.vector_store %arg10[%swap3A_430, %swap3A_431], %shift_right_arithmetic3A_429 {strides = array<i32>} : memref<2x128xi32, #tpu.memory_space<vmem>>, vector<16xi32>,
      %swap3A_433 = arith.index_cast %sub3A_307 : i32 to index
      %swap3A_434 = arith.constant 80 : index
      %swap3A_435 = tpu.vector_load %arg11[%swap3A_433, %swap3A_434] {strides = array<i32>} : memref<2x128xi32, #tpu.memory_space<vmem>>, vector<16xi32>,
      tpu.vector_store %arg11[%swap3A_433, %swap3A_434], %and3A_426 {strides = array<i32>} : memref<2x128xi32, #tpu.memory_space<vmem>>, vector<16xi32>,
      %mul3A_436 = arith.constant 5248 : i32
      %mul3A_437 = vector.broadcast %mul3A_436 : i32 to vector<16xi32>
      %mul3A_438 = arith.muli %and3A_4, %mul3A_437 : vector<16xi32>
      %add3A_439 = arith.addi %mul3A_438, %and3A_426 : vector<16xi32>
      tpu.vector_store_idx %arg13[%add3A_439], %broadcast_in_dim3A_5 masked %eq3A_11 {add = true} : memref<20992xf32, #tpu.memory_space<vmem>>[vector<16xi32>], vector<16xf32>, vector<16xi1>
      tpu.vector_store_idx %arg13[%add3A_439], %broadcast_in_dim3A_5 masked %eq3A_17 {add = true} : memref<20992xf32, #tpu.memory_space<vmem>>[vector<16xi32>], vector<16xf32>, vector<16xi1>
      tpu.vector_store_idx %arg13[%add3A_439], %broadcast_in_dim3A_5 masked %eq3A_23 {add = true} : memref<20992xf32, #tpu.memory_space<vmem>>[vector<16xi32>], vector<16xf32>, vector<16xi1>
      tpu.vector_store_idx %arg13[%add3A_439], %broadcast_in_dim3A_5 masked %eq3A_29 {add = true} : memref<20992xf32, #tpu.memory_space<vmem>>[vector<16xi32>], vector<16xf32>, vector<16xi1>
      %mul3A_440 = arith.constant 128 : i32
      %mul3A_441 = arith.muli %add3A_305, %mul3A_440 : i32
      %add3A_442 = arith.constant 96 : i32
      %add3A_443 = arith.addi %mul3A_441, %add3A_442 : i32
      %get3A_444 = arith.index_cast %add3A_443 : i32 to index
      %get3A_445 = tpu.vector_load %arg9[%get3A_444] {strides = array<i32>} : memref<20992xi32, #tpu.memory_space<vmem>>, vector<16xi32>,
      %and3A_446 = arith.constant 16383 : i32
      %and3A_447 = vector.broadcast %and3A_446 : i32 to vector<16xi32>
      %and3A_448 = arith.andi %get3A_445, %and3A_447 : vector<16xi32>
      %shift_right_arithmetic3A_449 = arith.constant 14 : i32
      %shift_right_arithmetic3A_450 = vector.broadcast %shift_right_arithmetic3A_449 : i32 to vector<16xi32>
      %shift_right_arithmetic3A_451 = arith.shrsi %get3A_445, %shift_right_arithmetic3A_450 : vector<16xi32>
      %swap3A_452 = arith.index_cast %sub3A_307 : i32 to index
      %swap3A_453 = arith.constant 96 : index
      %swap3A_454 = tpu.vector_load %arg10[%swap3A_452, %swap3A_453] {strides = array<i32>} : memref<2x128xi32, #tpu.memory_space<vmem>>, vector<16xi32>,
      tpu.vector_store %arg10[%swap3A_452, %swap3A_453], %shift_right_arithmetic3A_451 {strides = array<i32>} : memref<2x128xi32, #tpu.memory_space<vmem>>, vector<16xi32>,
      %swap3A_455 = arith.index_cast %sub3A_307 : i32 to index
      %swap3A_456 = arith.constant 96 : index
      %swap3A_457 = tpu.vector_load %arg11[%swap3A_455, %swap3A_456] {strides = array<i32>} : memref<2x128xi32, #tpu.memory_space<vmem>>, vector<16xi32>,
      tpu.vector_store %arg11[%swap3A_455, %swap3A_456], %and3A_448 {strides = array<i32>} : memref<2x128xi32, #tpu.memory_space<vmem>>, vector<16xi32>,
      %mul3A_458 = arith.constant 5248 : i32
      %mul3A_459 = vector.broadcast %mul3A_458 : i32 to vector<16xi32>
      %mul3A_460 = arith.muli %and3A_4, %mul3A_459 : vector<16xi32>
      %add3A_461 = arith.addi %mul3A_460, %and3A_448 : vector<16xi32>
      tpu.vector_store_idx %arg13[%add3A_461], %broadcast_in_dim3A_5 masked %eq3A_11 {add = true} : memref<20992xf32, #tpu.memory_space<vmem>>[vector<16xi32>], vector<16xf32>, vector<16xi1>
      tpu.vector_store_idx %arg13[%add3A_461], %broadcast_in_dim3A_5 masked %eq3A_17 {add = true} : memref<20992xf32, #tpu.memory_space<vmem>>[vector<16xi32>], vector<16xf32>, vector<16xi1>
      tpu.vector_store_idx %arg13[%add3A_461], %broadcast_in_dim3A_5 masked %eq3A_23 {add = true} : memref<20992xf32, #tpu.memory_space<vmem>>[vector<16xi32>], vector<16xf32>, vector<16xi1>
      tpu.vector_store_idx %arg13[%add3A_461], %broadcast_in_dim3A_5 masked %eq3A_29 {add = true} : memref<20992xf32, #tpu.memory_space<vmem>>[vector<16xi32>], vector<16xf32>, vector<16xi1>
      %mul3A_462 = arith.constant 128 : i32
      %mul3A_463 = arith.muli %add3A_305, %mul3A_462 : i32
      %add3A_464 = arith.constant 112 : i32
      %add3A_465 = arith.addi %mul3A_463, %add3A_464 : i32
      %get3A_466 = arith.index_cast %add3A_465 : i32 to index
      %get3A_467 = tpu.vector_load %arg9[%get3A_466] {strides = array<i32>} : memref<20992xi32, #tpu.memory_space<vmem>>, vector<16xi32>,
      %and3A_468 = arith.constant 16383 : i32
      %and3A_469 = vector.broadcast %and3A_468 : i32 to vector<16xi32>
      %and3A_470 = arith.andi %get3A_467, %and3A_469 : vector<16xi32>
      %shift_right_arithmetic3A_471 = arith.constant 14 : i32
      %shift_right_arithmetic3A_472 = vector.broadcast %shift_right_arithmetic3A_471 : i32 to vector<16xi32>
      %shift_right_arithmetic3A_473 = arith.shrsi %get3A_467, %shift_right_arithmetic3A_472 : vector<16xi32>
      %swap3A_474 = arith.index_cast %sub3A_307 : i32 to index
      %swap3A_475 = arith.constant 112 : index
      %swap3A_476 = tpu.vector_load %arg10[%swap3A_474, %swap3A_475] {strides = array<i32>} : memref<2x128xi32, #tpu.memory_space<vmem>>, vector<16xi32>,
      tpu.vector_store %arg10[%swap3A_474, %swap3A_475], %shift_right_arithmetic3A_473 {strides = array<i32>} : memref<2x128xi32, #tpu.memory_space<vmem>>, vector<16xi32>,
      %swap3A_477 = arith.index_cast %sub3A_307 : i32 to index
      %swap3A_478 = arith.constant 112 : index
      %swap3A_479 = tpu.vector_load %arg11[%swap3A_477, %swap3A_478] {strides = array<i32>} : memref<2x128xi32, #tpu.memory_space<vmem>>, vector<16xi32>,
      tpu.vector_store %arg11[%swap3A_477, %swap3A_478], %and3A_470 {strides = array<i32>} : memref<2x128xi32, #tpu.memory_space<vmem>>, vector<16xi32>,
      %mul3A_480 = arith.constant 5248 : i32
      %mul3A_481 = vector.broadcast %mul3A_480 : i32 to vector<16xi32>
      %mul3A_482 = arith.muli %and3A_4, %mul3A_481 : vector<16xi32>
      %add3A_483 = arith.addi %mul3A_482, %and3A_470 : vector<16xi32>
      tpu.vector_store_idx %arg13[%add3A_483], %broadcast_in_dim3A_5 masked %eq3A_11 {add = true} : memref<20992xf32, #tpu.memory_space<vmem>>[vector<16xi32>], vector<16xf32>, vector<16xi1>
      tpu.vector_store_idx %arg13[%add3A_483], %broadcast_in_dim3A_5 masked %eq3A_17 {add = true} : memref<20992xf32, #tpu.memory_space<vmem>>[vector<16xi32>], vector<16xf32>, vector<16xi1>
      tpu.vector_store_idx %arg13[%add3A_483], %broadcast_in_dim3A_5 masked %eq3A_23 {add = true} : memref<20992xf32, #tpu.memory_space<vmem>>[vector<16xi32>], vector<16xf32>, vector<16xi1>
      tpu.vector_store_idx %arg13[%add3A_483], %broadcast_in_dim3A_5 masked %eq3A_29 {add = true} : memref<20992xf32, #tpu.memory_space<vmem>>[vector<16xi32>], vector<16xf32>, vector<16xi1>
      %dma_wait3A = arith.constant 0 : i32
      %dma_wait3A_484 = tpu.memref_slice %arg10[%and3A_298, %dma_wait3A] : memref<2x128xi32, #tpu.memory_space<vmem>> -> memref<1x128xi32, #tpu.memory_space<vmem>>
      %dma_wait3A_485 = tpu.memref_squeeze %dma_wait3A_484 : memref<1x128xi32, #tpu.memory_space<vmem>> -> memref<128xi32, #tpu.memory_space<vmem>>
      %dma_wait3A_486 = arith.constant 0 : i32
      %dma_wait3A_487 = arith.constant 0 : i32
      %dma_wait3A_488 = tpu.memref_slice %arg2[%dma_wait3A_486, %dma_wait3A_487] : memref<10000x128xf32, #tpu.memory_space<hbm>> -> memref<10000x128xf32, #tpu.memory_space<hbm>>
      tpu.wait_indirect_dma semaphore(%arg16 : memref<!tpu.dma_semaphore, #tpu.memory_space<semaphore_mem>>) src(%dma_wait3A_488 : memref<10000x128xf32, #tpu.memory_space<hbm>>) dst(%arg12 : memref<128x128xf32, #tpu.memory_space<vmem>>)
      "tpu.region"() ({
        %run_scoped3A = tpu.sem_alloc : memref<!tpu.dma_semaphore, #tpu.memory_space<semaphore_mem>>
        %dma_start3A_489 = arith.constant 0 : i32
        %dma_start3A_490 = tpu.memref_slice %arg11[%and3A_298, %dma_start3A_489] : memref<2x128xi32, #tpu.memory_space<vmem>> -> memref<1x128xi32, #tpu.memory_space<vmem>>
        %dma_start3A_491 = tpu.memref_squeeze %dma_start3A_490 : memref<1x128xi32, #tpu.memory_space<vmem>> -> memref<128xi32, #tpu.memory_space<vmem>>
        %dma_start3A_492 = arith.constant 0 : i32
        %dma_start3A_493 = arith.constant 0 : i32
        %dma_start3A_494 = tpu.memref_slice %arg15[%dma_start3A_492, %dma_start3A_493] : memref<5248x128xf32, #tpu.memory_space<vmem_shared>> -> memref<5248x128xf32, #tpu.memory_space<vmem_shared>>
        tpu.enqueue_indirect_dma source(%arg12 : memref<128x128xf32, #tpu.memory_space<vmem>>) target(%dma_start3A_494 : memref<5248x128xf32, #tpu.memory_space<vmem_shared>>) offsets(%dma_start3A_491 : memref<128xi32, #tpu.memory_space<vmem>>) semaphore(%run_scoped3A : memref<!tpu.dma_semaphore, #tpu.memory_space<semaphore_mem>>) {add = true}
        %dma_wait3A_495 = arith.constant 0 : i32
        %dma_wait3A_496 = tpu.memref_slice %arg11[%and3A_298, %dma_wait3A_495] : memref<2x128xi32, #tpu.memory_space<vmem>> -> memref<1x128xi32, #tpu.memory_space<vmem>>
        %dma_wait3A_497 = tpu.memref_squeeze %dma_wait3A_496 : memref<1x128xi32, #tpu.memory_space<vmem>> -> memref<128xi32, #tpu.memory_space<vmem>>
        %dma_wait3A_498 = arith.constant 0 : i32
        %dma_wait3A_499 = arith.constant 0 : i32
        %dma_wait3A_500 = tpu.memref_slice %arg15[%dma_wait3A_498, %dma_wait3A_499] : memref<5248x128xf32, #tpu.memory_space<vmem_shared>> -> memref<5248x128xf32, #tpu.memory_space<vmem_shared>>
        tpu.wait_indirect_dma semaphore(%run_scoped3A : memref<!tpu.dma_semaphore, #tpu.memory_space<semaphore_mem>>) src(%arg12 : memref<128x128xf32, #tpu.memory_space<vmem>>) dst(%dma_wait3A_500 : memref<5248x128xf32, #tpu.memory_space<vmem_shared>>)
        tpu.yield
      }) : () -> ()
    }
    %while3A_287 = arith.constant 1 : i32
    scf.for %while3A_296 = %while3A_285 to %while3A_281 step %while3A_287  : i32 {
      %and3A_297 = arith.constant 1 : i32
      %and3A_298 = arith.andi %while3A_296, %and3A_297 : i32
      %dma_start3A = arith.constant 0 : i32
      %dma_start3A_299 = tpu.memref_slice %arg10[%and3A_298, %dma_start3A] : memref<2x128xi32, #tpu.memory_space<vmem>> -> memref<1x128xi32, #tpu.memory_space<vmem>>
      %dma_start3A_300 = tpu.memref_squeeze %dma_start3A_299 : memref<1x128xi32, #tpu.memory_space<vmem>> -> memref<128xi32, #tpu.memory_space<vmem>>
      %dma_start3A_301 = arith.constant 0 : i32
      %dma_start3A_302 = arith.constant 0 : i32
      %dma_start3A_303 = tpu.memref_slice %arg2[%dma_start3A_301, %dma_start3A_302] : memref<10000x128xf32, #tpu.memory_space<hbm>> -> memref<10000x128xf32, #tpu.memory_space<hbm>>
      tpu.enqueue_indirect_dma source(%dma_start3A_303 : memref<10000x128xf32, #tpu.memory_space<hbm>>) target(%arg12 : memref<128x128xf32, #tpu.memory_space<vmem>>) offsets(%dma_start3A_300 : memref<128xi32, #tpu.memory_space<vmem>>) semaphore(%arg16 : memref<!tpu.dma_semaphore, #tpu.memory_space<semaphore_mem>>)
      %add3A_304 = arith.constant 1 : i32
      %add3A_305 = arith.addi %while3A_296, %add3A_304 : i32
      %sub3A_306 = arith.constant 1 : i32
      %sub3A_307 = arith.subi %sub3A_306, %and3A_298 : i32
      %mul3A_308 = arith.constant 128 : i32
      %mul3A_309 = arith.muli %add3A_305, %mul3A_308 : i32
      %add3A_310 = arith.constant 0 : i32
      %add3A_311 = arith.addi %mul3A_309, %add3A_310 : i32
      %get3A_312 = arith.index_cast %add3A_311 : i32 to index
      %get3A_313 = tpu.vector_load %arg9[%get3A_312] {strides = array<i32>} : memref<20992xi32, #tpu.memory_space<vmem>>, vector<16xi32>,
      %and3A_314 = arith.constant 16383 : i32
      %and3A_315 = vector.broadcast %and3A_314 : i32 to vector<16xi32>
      %and3A_316 = arith.andi %get3A_313, %and3A_315 : vector<16xi32>
      %shift_right_arithmetic3A_317 = arith.constant 14 : i32
      %shift_right_arithmetic3A_318 = vector.broadcast %shift_right_arithmetic3A_317 : i32 to vector<16xi32>
      %shift_right_arithmetic3A_319 = arith.shrsi %get3A_313, %shift_right_arithmetic3A_318 : vector<16xi32>
      %swap3A_320 = arith.index_cast %sub3A_307 : i32 to index
      %swap3A_321 = arith.constant 0 : index
      %swap3A_322 = tpu.vector_load %arg10[%swap3A_320, %swap3A_321] {strides = array<i32>} : memref<2x128xi32, #tpu.memory_space<vmem>>, vector<16xi32>,
      tpu.vector_store %arg10[%swap3A_320, %swap3A_321], %shift_right_arithmetic3A_319 {strides = array<i32>} : memref<2x128xi32, #tpu.memory_space<vmem>>, vector<16xi32>,
      %swap3A_323 = arith.index_cast %sub3A_307 : i32 to index
      %swap3A_324 = arith.constant 0 : index
      %swap3A_325 = tpu.vector_load %arg11[%swap3A_323, %swap3A_324] {strides = array<i32>} : memref<2x128xi32, #tpu.memory_space<vmem>>, vector<16xi32>,
      tpu.vector_store %arg11[%swap3A_323, %swap3A_324], %and3A_316 {strides = array<i32>} : memref<2x128xi32, #tpu.memory_space<vmem>>, vector<16xi32>,
      %mul3A_326 = arith.constant 5248 : i32
      %mul3A_327 = vector.broadcast %mul3A_326 : i32 to vector<16xi32>
      %mul3A_328 = arith.muli %and3A_4, %mul3A_327 : vector<16xi32>
      %add3A_329 = arith.addi %mul3A_328, %and3A_316 : vector<16xi32>
      tpu.vector_store_idx %arg13[%add3A_329], %broadcast_in_dim3A_5 masked %eq3A_11 {add = true} : memref<20992xf32, #tpu.memory_space<vmem>>[vector<16xi32>], vector<16xf32>, vector<16xi1>
      tpu.vector_store_idx %arg13[%add3A_329], %broadcast_in_dim3A_5 masked %eq3A_17 {add = true} : memref<20992xf32, #tpu.memory_space<vmem>>[vector<16xi32>], vector<16xf32>, vector<16xi1>
      tpu.vector_store_idx %arg13[%add3A_329], %broadcast_in_dim3A_5 masked %eq3A_23 {add = true} : memref<20992xf32, #tpu.memory_space<vmem>>[vector<16xi32>], vector<16xf32>, vector<16xi1>
      tpu.vector_store_idx %arg13[%add3A_329], %broadcast_in_dim3A_5 masked %eq3A_29 {add = true} : memref<20992xf32, #tpu.memory_space<vmem>>[vector<16xi32>], vector<16xf32>, vector<16xi1>
      %mul3A_330 = arith.constant 128 : i32
      %mul3A_331 = arith.muli %add3A_305, %mul3A_330 : i32
      %add3A_332 = arith.constant 16 : i32
      %add3A_333 = arith.addi %mul3A_331, %add3A_332 : i32
      %get3A_334 = arith.index_cast %add3A_333 : i32 to index
      %get3A_335 = tpu.vector_load %arg9[%get3A_334] {strides = array<i32>} : memref<20992xi32, #tpu.memory_space<vmem>>, vector<16xi32>,
      %and3A_336 = arith.constant 16383 : i32
      %and3A_337 = vector.broadcast %and3A_336 : i32 to vector<16xi32>
      %and3A_338 = arith.andi %get3A_335, %and3A_337 : vector<16xi32>
      %shift_right_arithmetic3A_339 = arith.constant 14 : i32
      %shift_right_arithmetic3A_340 = vector.broadcast %shift_right_arithmetic3A_339 : i32 to vector<16xi32>
      %shift_right_arithmetic3A_341 = arith.shrsi %get3A_335, %shift_right_arithmetic3A_340 : vector<16xi32>
      %swap3A_342 = arith.index_cast %sub3A_307 : i32 to index
      %swap3A_343 = arith.constant 16 : index
      %swap3A_344 = tpu.vector_load %arg10[%swap3A_342, %swap3A_343] {strides = array<i32>} : memref<2x128xi32, #tpu.memory_space<vmem>>, vector<16xi32>,
      tpu.vector_store %arg10[%swap3A_342, %swap3A_343], %shift_right_arithmetic3A_341 {strides = array<i32>} : memref<2x128xi32, #tpu.memory_space<vmem>>, vector<16xi32>,
      %swap3A_345 = arith.index_cast %sub3A_307 : i32 to index
      %swap3A_346 = arith.constant 16 : index
      %swap3A_347 = tpu.vector_load %arg11[%swap3A_345, %swap3A_346] {strides = array<i32>} : memref<2x128xi32, #tpu.memory_space<vmem>>, vector<16xi32>,
      tpu.vector_store %arg11[%swap3A_345, %swap3A_346], %and3A_338 {strides = array<i32>} : memref<2x128xi32, #tpu.memory_space<vmem>>, vector<16xi32>,
      %mul3A_348 = arith.constant 5248 : i32
      %mul3A_349 = vector.broadcast %mul3A_348 : i32 to vector<16xi32>
      %mul3A_350 = arith.muli %and3A_4, %mul3A_349 : vector<16xi32>
      %add3A_351 = arith.addi %mul3A_350, %and3A_338 : vector<16xi32>
      tpu.vector_store_idx %arg13[%add3A_351], %broadcast_in_dim3A_5 masked %eq3A_11 {add = true} : memref<20992xf32, #tpu.memory_space<vmem>>[vector<16xi32>], vector<16xf32>, vector<16xi1>
      tpu.vector_store_idx %arg13[%add3A_351], %broadcast_in_dim3A_5 masked %eq3A_17 {add = true} : memref<20992xf32, #tpu.memory_space<vmem>>[vector<16xi32>], vector<16xf32>, vector<16xi1>
      tpu.vector_store_idx %arg13[%add3A_351], %broadcast_in_dim3A_5 masked %eq3A_23 {add = true} : memref<20992xf32, #tpu.memory_space<vmem>>[vector<16xi32>], vector<16xf32>, vector<16xi1>
      tpu.vector_store_idx %arg13[%add3A_351], %broadcast_in_dim3A_5 masked %eq3A_29 {add = true} : memref<20992xf32, #tpu.memory_space<vmem>>[vector<16xi32>], vector<16xf32>, vector<16xi1>
      %mul3A_352 = arith.constant 128 : i32
      %mul3A_353 = arith.muli %add3A_305, %mul3A_352 : i32
      %add3A_354 = arith.constant 32 : i32
      %add3A_355 = arith.addi %mul3A_353, %add3A_354 : i32
      %get3A_356 = arith.index_cast %add3A_355 : i32 to index
      %get3A_357 = tpu.vector_load %arg9[%get3A_356] {strides = array<i32>} : memref<20992xi32, #tpu.memory_space<vmem>>, vector<16xi32>,
      %and3A_358 = arith.constant 16383 : i32
      %and3A_359 = vector.broadcast %and3A_358 : i32 to vector<16xi32>
      %and3A_360 = arith.andi %get3A_357, %and3A_359 : vector<16xi32>
      %shift_right_arithmetic3A_361 = arith.constant 14 : i32
      %shift_right_arithmetic3A_362 = vector.broadcast %shift_right_arithmetic3A_361 : i32 to vector<16xi32>
      %shift_right_arithmetic3A_363 = arith.shrsi %get3A_357, %shift_right_arithmetic3A_362 : vector<16xi32>
      %swap3A_364 = arith.index_cast %sub3A_307 : i32 to index
      %swap3A_365 = arith.constant 32 : index
      %swap3A_366 = tpu.vector_load %arg10[%swap3A_364, %swap3A_365] {strides = array<i32>} : memref<2x128xi32, #tpu.memory_space<vmem>>, vector<16xi32>,
      tpu.vector_store %arg10[%swap3A_364, %swap3A_365], %shift_right_arithmetic3A_363 {strides = array<i32>} : memref<2x128xi32, #tpu.memory_space<vmem>>, vector<16xi32>,
      %swap3A_367 = arith.index_cast %sub3A_307 : i32 to index
      %swap3A_368 = arith.constant 32 : index
      %swap3A_369 = tpu.vector_load %arg11[%swap3A_367, %swap3A_368] {strides = array<i32>} : memref<2x128xi32, #tpu.memory_space<vmem>>, vector<16xi32>,
      tpu.vector_store %arg11[%swap3A_367, %swap3A_368], %and3A_360 {strides = array<i32>} : memref<2x128xi32, #tpu.memory_space<vmem>>, vector<16xi32>,
      %mul3A_370 = arith.constant 5248 : i32
      %mul3A_371 = vector.broadcast %mul3A_370 : i32 to vector<16xi32>
      %mul3A_372 = arith.muli %and3A_4, %mul3A_371 : vector<16xi32>
      %add3A_373 = arith.addi %mul3A_372, %and3A_360 : vector<16xi32>
      tpu.vector_store_idx %arg13[%add3A_373], %broadcast_in_dim3A_5 masked %eq3A_11 {add = true} : memref<20992xf32, #tpu.memory_space<vmem>>[vector<16xi32>], vector<16xf32>, vector<16xi1>
      tpu.vector_store_idx %arg13[%add3A_373], %broadcast_in_dim3A_5 masked %eq3A_17 {add = true} : memref<20992xf32, #tpu.memory_space<vmem>>[vector<16xi32>], vector<16xf32>, vector<16xi1>
      tpu.vector_store_idx %arg13[%add3A_373], %broadcast_in_dim3A_5 masked %eq3A_23 {add = true} : memref<20992xf32, #tpu.memory_space<vmem>>[vector<16xi32>], vector<16xf32>, vector<16xi1>
      tpu.vector_store_idx %arg13[%add3A_373], %broadcast_in_dim3A_5 masked %eq3A_29 {add = true} : memref<20992xf32, #tpu.memory_space<vmem>>[vector<16xi32>], vector<16xf32>, vector<16xi1>
      %mul3A_374 = arith.constant 128 : i32
      %mul3A_375 = arith.muli %add3A_305, %mul3A_374 : i32
      %add3A_376 = arith.constant 48 : i32
      %add3A_377 = arith.addi %mul3A_375, %add3A_376 : i32
      %get3A_378 = arith.index_cast %add3A_377 : i32 to index
      %get3A_379 = tpu.vector_load %arg9[%get3A_378] {strides = array<i32>} : memref<20992xi32, #tpu.memory_space<vmem>>, vector<16xi32>,
      %and3A_380 = arith.constant 16383 : i32
      %and3A_381 = vector.broadcast %and3A_380 : i32 to vector<16xi32>
      %and3A_382 = arith.andi %get3A_379, %and3A_381 : vector<16xi32>
      %shift_right_arithmetic3A_383 = arith.constant 14 : i32
      %shift_right_arithmetic3A_384 = vector.broadcast %shift_right_arithmetic3A_383 : i32 to vector<16xi32>
      %shift_right_arithmetic3A_385 = arith.shrsi %get3A_379, %shift_right_arithmetic3A_384 : vector<16xi32>
      %swap3A_386 = arith.index_cast %sub3A_307 : i32 to index
      %swap3A_387 = arith.constant 48 : index
      %swap3A_388 = tpu.vector_load %arg10[%swap3A_386, %swap3A_387] {strides = array<i32>} : memref<2x128xi32, #tpu.memory_space<vmem>>, vector<16xi32>,
      tpu.vector_store %arg10[%swap3A_386, %swap3A_387], %shift_right_arithmetic3A_385 {strides = array<i32>} : memref<2x128xi32, #tpu.memory_space<vmem>>, vector<16xi32>,
      %swap3A_389 = arith.index_cast %sub3A_307 : i32 to index
      %swap3A_390 = arith.constant 48 : index
      %swap3A_391 = tpu.vector_load %arg11[%swap3A_389, %swap3A_390] {strides = array<i32>} : memref<2x128xi32, #tpu.memory_space<vmem>>, vector<16xi32>,
      tpu.vector_store %arg11[%swap3A_389, %swap3A_390], %and3A_382 {strides = array<i32>} : memref<2x128xi32, #tpu.memory_space<vmem>>, vector<16xi32>,
      %mul3A_392 = arith.constant 5248 : i32
      %mul3A_393 = vector.broadcast %mul3A_392 : i32 to vector<16xi32>
      %mul3A_394 = arith.muli %and3A_4, %mul3A_393 : vector<16xi32>
      %add3A_395 = arith.addi %mul3A_394, %and3A_382 : vector<16xi32>
      tpu.vector_store_idx %arg13[%add3A_395], %broadcast_in_dim3A_5 masked %eq3A_11 {add = true} : memref<20992xf32, #tpu.memory_space<vmem>>[vector<16xi32>], vector<16xf32>, vector<16xi1>
      tpu.vector_store_idx %arg13[%add3A_395], %broadcast_in_dim3A_5 masked %eq3A_17 {add = true} : memref<20992xf32, #tpu.memory_space<vmem>>[vector<16xi32>], vector<16xf32>, vector<16xi1>
      tpu.vector_store_idx %arg13[%add3A_395], %broadcast_in_dim3A_5 masked %eq3A_23 {add = true} : memref<20992xf32, #tpu.memory_space<vmem>>[vector<16xi32>], vector<16xf32>, vector<16xi1>
      tpu.vector_store_idx %arg13[%add3A_395], %broadcast_in_dim3A_5 masked %eq3A_29 {add = true} : memref<20992xf32, #tpu.memory_space<vmem>>[vector<16xi32>], vector<16xf32>, vector<16xi1>
      %mul3A_396 = arith.constant 128 : i32
      %mul3A_397 = arith.muli %add3A_305, %mul3A_396 : i32
      %add3A_398 = arith.constant 64 : i32
      %add3A_399 = arith.addi %mul3A_397, %add3A_398 : i32
      %get3A_400 = arith.index_cast %add3A_399 : i32 to index
      %get3A_401 = tpu.vector_load %arg9[%get3A_400] {strides = array<i32>} : memref<20992xi32, #tpu.memory_space<vmem>>, vector<16xi32>,
      %and3A_402 = arith.constant 16383 : i32
      %and3A_403 = vector.broadcast %and3A_402 : i32 to vector<16xi32>
      %and3A_404 = arith.andi %get3A_401, %and3A_403 : vector<16xi32>
      %shift_right_arithmetic3A_405 = arith.constant 14 : i32
      %shift_right_arithmetic3A_406 = vector.broadcast %shift_right_arithmetic3A_405 : i32 to vector<16xi32>
      %shift_right_arithmetic3A_407 = arith.shrsi %get3A_401, %shift_right_arithmetic3A_406 : vector<16xi32>
      %swap3A_408 = arith.index_cast %sub3A_307 : i32 to index
      %swap3A_409 = arith.constant 64 : index
      %swap3A_410 = tpu.vector_load %arg10[%swap3A_408, %swap3A_409] {strides = array<i32>} : memref<2x128xi32, #tpu.memory_space<vmem>>, vector<16xi32>,
      tpu.vector_store %arg10[%swap3A_408, %swap3A_409], %shift_right_arithmetic3A_407 {strides = array<i32>} : memref<2x128xi32, #tpu.memory_space<vmem>>, vector<16xi32>,
      %swap3A_411 = arith.index_cast %sub3A_307 : i32 to index
      %swap3A_412 = arith.constant 64 : index
      %swap3A_413 = tpu.vector_load %arg11[%swap3A_411, %swap3A_412] {strides = array<i32>} : memref<2x128xi32, #tpu.memory_space<vmem>>, vector<16xi32>,
      tpu.vector_store %arg11[%swap3A_411, %swap3A_412], %and3A_404 {strides = array<i32>} : memref<2x128xi32, #tpu.memory_space<vmem>>, vector<16xi32>,
      %mul3A_414 = arith.constant 5248 : i32
      %mul3A_415 = vector.broadcast %mul3A_414 : i32 to vector<16xi32>
      %mul3A_416 = arith.muli %and3A_4, %mul3A_415 : vector<16xi32>
      %add3A_417 = arith.addi %mul3A_416, %and3A_404 : vector<16xi32>
      tpu.vector_store_idx %arg13[%add3A_417], %broadcast_in_dim3A_5 masked %eq3A_11 {add = true} : memref<20992xf32, #tpu.memory_space<vmem>>[vector<16xi32>], vector<16xf32>, vector<16xi1>
      tpu.vector_store_idx %arg13[%add3A_417], %broadcast_in_dim3A_5 masked %eq3A_17 {add = true} : memref<20992xf32, #tpu.memory_space<vmem>>[vector<16xi32>], vector<16xf32>, vector<16xi1>
      tpu.vector_store_idx %arg13[%add3A_417], %broadcast_in_dim3A_5 masked %eq3A_23 {add = true} : memref<20992xf32, #tpu.memory_space<vmem>>[vector<16xi32>], vector<16xf32>, vector<16xi1>
      tpu.vector_store_idx %arg13[%add3A_417], %broadcast_in_dim3A_5 masked %eq3A_29 {add = true} : memref<20992xf32, #tpu.memory_space<vmem>>[vector<16xi32>], vector<16xf32>, vector<16xi1>
      %mul3A_418 = arith.constant 128 : i32
      %mul3A_419 = arith.muli %add3A_305, %mul3A_418 : i32
      %add3A_420 = arith.constant 80 : i32
      %add3A_421 = arith.addi %mul3A_419, %add3A_420 : i32
      %get3A_422 = arith.index_cast %add3A_421 : i32 to index
      %get3A_423 = tpu.vector_load %arg9[%get3A_422] {strides = array<i32>} : memref<20992xi32, #tpu.memory_space<vmem>>, vector<16xi32>,
      %and3A_424 = arith.constant 16383 : i32
      %and3A_425 = vector.broadcast %and3A_424 : i32 to vector<16xi32>
      %and3A_426 = arith.andi %get3A_423, %and3A_425 : vector<16xi32>
      %shift_right_arithmetic3A_427 = arith.constant 14 : i32
      %shift_right_arithmetic3A_428 = vector.broadcast %shift_right_arithmetic3A_427 : i32 to vector<16xi32>
      %shift_right_arithmetic3A_429 = arith.shrsi %get3A_423, %shift_right_arithmetic3A_428 : vector<16xi32>
      %swap3A_430 = arith.index_cast %sub3A_307 : i32 to index
      %swap3A_431 = arith.constant 80 : index
      %swap3A_432 = tpu.vector_load %arg10[%swap3A_430, %swap3A_431] {strides = array<i32>} : memref<2x128xi32, #tpu.memory_space<vmem>>, vector<16xi32>,
      tpu.vector_store %arg10[%swap3A_430, %swap3A_431], %shift_right_arithmetic3A_429 {strides = array<i32>} : memref<2x128xi32, #tpu.memory_space<vmem>>, vector<16xi32>,
      %swap3A_433 = arith.index_cast %sub3A_307 : i32 to index
      %swap3A_434 = arith.constant 80 : index
      %swap3A_435 = tpu.vector_load %arg11[%swap3A_433, %swap3A_434] {strides = array<i32>} : memref<2x128xi32, #tpu.memory_space<vmem>>, vector<16xi32>,
      tpu.vector_store %arg11[%swap3A_433, %swap3A_434], %and3A_426 {strides = array<i32>} : memref<2x128xi32, #tpu.memory_space<vmem>>, vector<16xi32>,
      %mul3A_436 = arith.constant 5248 : i32
      %mul3A_437 = vector.broadcast %mul3A_436 : i32 to vector<16xi32>
      %mul3A_438 = arith.muli %and3A_4, %mul3A_437 : vector<16xi32>
      %add3A_439 = arith.addi %mul3A_438, %and3A_426 : vector<16xi32>
      tpu.vector_store_idx %arg13[%add3A_439], %broadcast_in_dim3A_5 masked %eq3A_11 {add = true} : memref<20992xf32, #tpu.memory_space<vmem>>[vector<16xi32>], vector<16xf32>, vector<16xi1>
      tpu.vector_store_idx %arg13[%add3A_439], %broadcast_in_dim3A_5 masked %eq3A_17 {add = true} : memref<20992xf32, #tpu.memory_space<vmem>>[vector<16xi32>], vector<16xf32>, vector<16xi1>
      tpu.vector_store_idx %arg13[%add3A_439], %broadcast_in_dim3A_5 masked %eq3A_23 {add = true} : memref<20992xf32, #tpu.memory_space<vmem>>[vector<16xi32>], vector<16xf32>, vector<16xi1>
      tpu.vector_store_idx %arg13[%add3A_439], %broadcast_in_dim3A_5 masked %eq3A_29 {add = true} : memref<20992xf32, #tpu.memory_space<vmem>>[vector<16xi32>], vector<16xf32>, vector<16xi1>
      %mul3A_440 = arith.constant 128 : i32
      %mul3A_441 = arith.muli %add3A_305, %mul3A_440 : i32
      %add3A_442 = arith.constant 96 : i32
      %add3A_443 = arith.addi %mul3A_441, %add3A_442 : i32
      %get3A_444 = arith.index_cast %add3A_443 : i32 to index
      %get3A_445 = tpu.vector_load %arg9[%get3A_444] {strides = array<i32>} : memref<20992xi32, #tpu.memory_space<vmem>>, vector<16xi32>,
      %and3A_446 = arith.constant 16383 : i32
      %and3A_447 = vector.broadcast %and3A_446 : i32 to vector<16xi32>
      %and3A_448 = arith.andi %get3A_445, %and3A_447 : vector<16xi32>
      %shift_right_arithmetic3A_449 = arith.constant 14 : i32
      %shift_right_arithmetic3A_450 = vector.broadcast %shift_right_arithmetic3A_449 : i32 to vector<16xi32>
      %shift_right_arithmetic3A_451 = arith.shrsi %get3A_445, %shift_right_arithmetic3A_450 : vector<16xi32>
      %swap3A_452 = arith.index_cast %sub3A_307 : i32 to index
      %swap3A_453 = arith.constant 96 : index
      %swap3A_454 = tpu.vector_load %arg10[%swap3A_452, %swap3A_453] {strides = array<i32>} : memref<2x128xi32, #tpu.memory_space<vmem>>, vector<16xi32>,
      tpu.vector_store %arg10[%swap3A_452, %swap3A_453], %shift_right_arithmetic3A_451 {strides = array<i32>} : memref<2x128xi32, #tpu.memory_space<vmem>>, vector<16xi32>,
      %swap3A_455 = arith.index_cast %sub3A_307 : i32 to index
      %swap3A_456 = arith.constant 96 : index
      %swap3A_457 = tpu.vector_load %arg11[%swap3A_455, %swap3A_456] {strides = array<i32>} : memref<2x128xi32, #tpu.memory_space<vmem>>, vector<16xi32>,
      tpu.vector_store %arg11[%swap3A_455, %swap3A_456], %and3A_448 {strides = array<i32>} : memref<2x128xi32, #tpu.memory_space<vmem>>, vector<16xi32>,
      %mul3A_458 = arith.constant 5248 : i32
      %mul3A_459 = vector.broadcast %mul3A_458 : i32 to vector<16xi32>
      %mul3A_460 = arith.muli %and3A_4, %mul3A_459 : vector<16xi32>
      %add3A_461 = arith.addi %mul3A_460, %and3A_448 : vector<16xi32>
      tpu.vector_store_idx %arg13[%add3A_461], %broadcast_in_dim3A_5 masked %eq3A_11 {add = true} : memref<20992xf32, #tpu.memory_space<vmem>>[vector<16xi32>], vector<16xf32>, vector<16xi1>
      tpu.vector_store_idx %arg13[%add3A_461], %broadcast_in_dim3A_5 masked %eq3A_17 {add = true} : memref<20992xf32, #tpu.memory_space<vmem>>[vector<16xi32>], vector<16xf32>, vector<16xi1>
      tpu.vector_store_idx %arg13[%add3A_461], %broadcast_in_dim3A_5 masked %eq3A_23 {add = true} : memref<20992xf32, #tpu.memory_space<vmem>>[vector<16xi32>], vector<16xf32>, vector<16xi1>
      tpu.vector_store_idx %arg13[%add3A_461], %broadcast_in_dim3A_5 masked %eq3A_29 {add = true} : memref<20992xf32, #tpu.memory_space<vmem>>[vector<16xi32>], vector<16xf32>, vector<16xi1>
      %mul3A_462 = arith.constant 128 : i32
      %mul3A_463 = arith.muli %add3A_305, %mul3A_462 : i32
      %add3A_464 = arith.constant 112 : i32
      %add3A_465 = arith.addi %mul3A_463, %add3A_464 : i32
      %get3A_466 = arith.index_cast %add3A_465 : i32 to index
      %get3A_467 = tpu.vector_load %arg9[%get3A_466] {strides = array<i32>} : memref<20992xi32, #tpu.memory_space<vmem>>, vector<16xi32>,
      %and3A_468 = arith.constant 16383 : i32
      %and3A_469 = vector.broadcast %and3A_468 : i32 to vector<16xi32>
      %and3A_470 = arith.andi %get3A_467, %and3A_469 : vector<16xi32>
      %shift_right_arithmetic3A_471 = arith.constant 14 : i32
      %shift_right_arithmetic3A_472 = vector.broadcast %shift_right_arithmetic3A_471 : i32 to vector<16xi32>
      %shift_right_arithmetic3A_473 = arith.shrsi %get3A_467, %shift_right_arithmetic3A_472 : vector<16xi32>
      %swap3A_474 = arith.index_cast %sub3A_307 : i32 to index
      %swap3A_475 = arith.constant 112 : index
      %swap3A_476 = tpu.vector_load %arg10[%swap3A_474, %swap3A_475] {strides = array<i32>} : memref<2x128xi32, #tpu.memory_space<vmem>>, vector<16xi32>,
      tpu.vector_store %arg10[%swap3A_474, %swap3A_475], %shift_right_arithmetic3A_473 {strides = array<i32>} : memref<2x128xi32, #tpu.memory_space<vmem>>, vector<16xi32>,
      %swap3A_477 = arith.index_cast %sub3A_307 : i32 to index
      %swap3A_478 = arith.constant 112 : index
      %swap3A_479 = tpu.vector_load %arg11[%swap3A_477, %swap3A_478] {strides = array<i32>} : memref<2x128xi32, #tpu.memory_space<vmem>>, vector<16xi32>,
      tpu.vector_store %arg11[%swap3A_477, %swap3A_478], %and3A_470 {strides = array<i32>} : memref<2x128xi32, #tpu.memory_space<vmem>>, vector<16xi32>,
      %mul3A_480 = arith.constant 5248 : i32
      %mul3A_481 = vector.broadcast %mul3A_480 : i32 to vector<16xi32>
      %mul3A_482 = arith.muli %and3A_4, %mul3A_481 : vector<16xi32>
      %add3A_483 = arith.addi %mul3A_482, %and3A_470 : vector<16xi32>
      tpu.vector_store_idx %arg13[%add3A_483], %broadcast_in_dim3A_5 masked %eq3A_11 {add = true} : memref<20992xf32, #tpu.memory_space<vmem>>[vector<16xi32>], vector<16xf32>, vector<16xi1>
      tpu.vector_store_idx %arg13[%add3A_483], %broadcast_in_dim3A_5 masked %eq3A_17 {add = true} : memref<20992xf32, #tpu.memory_space<vmem>>[vector<16xi32>], vector<16xf32>, vector<16xi1>
      tpu.vector_store_idx %arg13[%add3A_483], %broadcast_in_dim3A_5 masked %eq3A_23 {add = true} : memref<20992xf32, #tpu.memory_space<vmem>>[vector<16xi32>], vector<16xf32>, vector<16xi1>
      tpu.vector_store_idx %arg13[%add3A_483], %broadcast_in_dim3A_5 masked %eq3A_29 {add = true} : memref<20992xf32, #tpu.memory_space<vmem>>[vector<16xi32>], vector<16xf32>, vector<16xi1>
      %dma_wait3A = arith.constant 0 : i32
      %dma_wait3A_484 = tpu.memref_slice %arg10[%and3A_298, %dma_wait3A] : memref<2x128xi32, #tpu.memory_space<vmem>> -> memref<1x128xi32, #tpu.memory_space<vmem>>
      %dma_wait3A_485 = tpu.memref_squeeze %dma_wait3A_484 : memref<1x128xi32, #tpu.memory_space<vmem>> -> memref<128xi32, #tpu.memory_space<vmem>>
      %dma_wait3A_486 = arith.constant 0 : i32
      %dma_wait3A_487 = arith.constant 0 : i32
      %dma_wait3A_488 = tpu.memref_slice %arg2[%dma_wait3A_486, %dma_wait3A_487] : memref<10000x128xf32, #tpu.memory_space<hbm>> -> memref<10000x128xf32, #tpu.memory_space<hbm>>
      tpu.wait_indirect_dma semaphore(%arg16 : memref<!tpu.dma_semaphore, #tpu.memory_space<semaphore_mem>>) src(%dma_wait3A_488 : memref<10000x128xf32, #tpu.memory_space<hbm>>) dst(%arg12 : memref<128x128xf32, #tpu.memory_space<vmem>>)
      "tpu.region"() ({
        %run_scoped3A = tpu.sem_alloc : memref<!tpu.dma_semaphore, #tpu.memory_space<semaphore_mem>>
        %dma_start3A_489 = arith.constant 0 : i32
        %dma_start3A_490 = tpu.memref_slice %arg11[%and3A_298, %dma_start3A_489] : memref<2x128xi32, #tpu.memory_space<vmem>> -> memref<1x128xi32, #tpu.memory_space<vmem>>
        %dma_start3A_491 = tpu.memref_squeeze %dma_start3A_490 : memref<1x128xi32, #tpu.memory_space<vmem>> -> memref<128xi32, #tpu.memory_space<vmem>>
        %dma_start3A_492 = arith.constant 0 : i32
        %dma_start3A_493 = arith.constant 0 : i32
        %dma_start3A_494 = tpu.memref_slice %arg15[%dma_start3A_492, %dma_start3A_493] : memref<5248x128xf32, #tpu.memory_space<vmem_shared>> -> memref<5248x128xf32, #tpu.memory_space<vmem_shared>>
        tpu.enqueue_indirect_dma source(%arg12 : memref<128x128xf32, #tpu.memory_space<vmem>>) target(%dma_start3A_494 : memref<5248x128xf32, #tpu.memory_space<vmem_shared>>) offsets(%dma_start3A_491 : memref<128xi32, #tpu.memory_space<vmem>>) semaphore(%run_scoped3A : memref<!tpu.dma_semaphore, #tpu.memory_space<semaphore_mem>>) {add = true}
        %dma_wait3A_495 = arith.constant 0 : i32
        %dma_wait3A_496 = tpu.memref_slice %arg11[%and3A_298, %dma_wait3A_495] : memref<2x128xi32, #tpu.memory_space<vmem>> -> memref<1x128xi32, #tpu.memory_space<vmem>>
        %dma_wait3A_497 = tpu.memref_squeeze %dma_wait3A_496 : memref<1x128xi32, #tpu.memory_space<vmem>> -> memref<128xi32, #tpu.memory_space<vmem>>
        %dma_wait3A_498 = arith.constant 0 : i32
        %dma_wait3A_499 = arith.constant 0 : i32
        %dma_wait3A_500 = tpu.memref_slice %arg15[%dma_wait3A_498, %dma_wait3A_499] : memref<5248x128xf32, #tpu.memory_space<vmem_shared>> -> memref<5248x128xf32, #tpu.memory_space<vmem_shared>>
        tpu.wait_indirect_dma semaphore(%run_scoped3A : memref<!tpu.dma_semaphore, #tpu.memory_space<semaphore_mem>>) src(%arg12 : memref<128x128xf32, #tpu.memory_space<vmem>>) dst(%dma_wait3A_500 : memref<5248x128xf32, #tpu.memory_space<vmem_shared>>)
        tpu.yield
      }) : () -> ()
    }
    %scan3A_288 = arith.constant 0 : i32
    %scan3A_289 = arith.constant 328 : i32
    %scan3A_290 = arith.addi %scan3A_288, %scan3A_289 : i32
    %scan3A_291 = arith.constant 1 : i32
    scf.for %scan3A_296 = %scan3A_288 to %scan3A_290 step %scan3A_291  : i32 {
      %mul3A_297 = arith.constant 16 : i32
      %mul3A_298 = arith.muli %scan3A_296, %mul3A_297 : i32
      %get3A_299 = arith.index_cast %mul3A_298 : i32 to index
      %get3A_300 = tpu.vector_load %arg13[%get3A_299] {strides = array<i32>} : memref<20992xf32, #tpu.memory_space<vmem>>, vector<16xf32>,
      %add3A_301 = arith.constant 5248 : i32
      %add3A_302 = arith.addi %add3A_301, %mul3A_298 : i32
      %get3A_303 = arith.index_cast %add3A_302 : i32 to index
      %get3A_304 = tpu.vector_load %arg13[%get3A_303] {strides = array<i32>} : memref<20992xf32, #tpu.memory_space<vmem>>, vector<16xf32>,
      %add3A_305 = arith.addf %get3A_300, %get3A_304 : vector<16xf32>
      %add3A_306 = arith.constant 10496 : i32
      %add3A_307 = arith.addi %add3A_306, %mul3A_298 : i32
      %get3A_308 = arith.index_cast %add3A_307 : i32 to index
      %get3A_309 = tpu.vector_load %arg13[%get3A_308] {strides = array<i32>} : memref<20992xf32, #tpu.memory_space<vmem>>, vector<16xf32>,
      %add3A_310 = arith.constant 15744 : i32
      %add3A_311 = arith.addi %add3A_310, %mul3A_298 : i32
      %get3A_312 = arith.index_cast %add3A_311 : i32 to index
      %get3A_313 = tpu.vector_load %arg13[%get3A_312] {strides = array<i32>} : memref<20992xf32, #tpu.memory_space<vmem>>, vector<16xf32>,
      %add3A_314 = arith.addf %get3A_309, %get3A_313 : vector<16xf32>
      %add3A_315 = arith.addf %add3A_305, %add3A_314 : vector<16xf32>
      %swap3A_316 = arith.index_cast %mul3A_298 : i32 to index
      %swap3A_317 = tpu.vector_load %arg14[%swap3A_316] {strides = array<i32>} : memref<5248xf32, #tpu.memory_space<vmem>>, vector<16xf32>,
      tpu.vector_store %arg14[%swap3A_316], %add3A_315 {strides = array<i32>} : memref<5248xf32, #tpu.memory_space<vmem>>, vector<16xf32>,
    }
    %scan3A_292 = arith.constant 328 : i32
    %barrier3A_293 = arith.constant 0 : index
    tpu.barrier barrier_id(%barrier3A_293)
    "tpu.region"() ({
      %run_scoped3A = tpu.sem_alloc : memref<!tpu.dma_semaphore, #tpu.memory_space<semaphore_mem>>
      %dma_start3A = arith.constant 0 : i32
      %dma_start3A_296 = tpu.memref_slice %arg6[%arg0, %mul3A_2, %dma_start3A] : memref<2x5248x128xf32, #tpu.memory_space<hbm>> -> memref<1x328x128xf32, #tpu.memory_space<hbm>>
      %dma_start3A_297 = tpu.memref_squeeze %dma_start3A_296 : memref<1x328x128xf32, #tpu.memory_space<hbm>> -> memref<328x128xf32, #tpu.memory_space<hbm>>
      %dma_start3A_298 = arith.constant 0 : i32
      %dma_start3A_299 = tpu.memref_slice %arg15[%mul3A_2, %dma_start3A_298] : memref<5248x128xf32, #tpu.memory_space<vmem_shared>> -> memref<328x128xf32, #tpu.memory_space<vmem_shared>>
      tpu.enqueue_dma source(%dma_start3A_299 : memref<328x128xf32, #tpu.memory_space<vmem_shared>>) target(%dma_start3A_297 : memref<328x128xf32, #tpu.memory_space<hbm>>) target_semaphore(%run_scoped3A : memref<!tpu.dma_semaphore, #tpu.memory_space<semaphore_mem>>)
      %dma_wait3A = arith.constant 0 : i32
      %dma_wait3A_300 = tpu.memref_slice %arg6[%arg0, %mul3A_2, %dma_wait3A] : memref<2x5248x128xf32, #tpu.memory_space<hbm>> -> memref<1x328x128xf32, #tpu.memory_space<hbm>>
      %dma_wait3A_301 = tpu.memref_squeeze %dma_wait3A_300 : memref<1x328x128xf32, #tpu.memory_space<hbm>> -> memref<328x128xf32, #tpu.memory_space<hbm>>
      %dma_wait3A_302 = arith.constant 0 : i32
      %dma_wait3A_303 = tpu.memref_slice %arg15[%mul3A_2, %dma_wait3A_302] : memref<5248x128xf32, #tpu.memory_space<vmem_shared>> -> memref<328x128xf32, #tpu.memory_space<vmem_shared>>
      tpu.wait_dma2 semaphore(%run_scoped3A : memref<!tpu.dma_semaphore, #tpu.memory_space<semaphore_mem>>) src(%dma_wait3A_303 : memref<328x128xf32, #tpu.memory_space<vmem_shared>>) dst(%dma_wait3A_301 : memref<328x128xf32, #tpu.memory_space<hbm>>)
      tpu.yield
    }) : () -> ()
    %mul3A_294 = arith.constant 5248 : i32
    %mul3A_295 = arith.muli %arg0, %mul3A_294 : i32
    "tpu.region"() ({
      %run_scoped3A = tpu.sem_alloc : memref<!tpu.dma_semaphore, #tpu.memory_space<semaphore_mem>>
      %dma_start3A = tpu.memref_slice %arg7[%arg1, %mul3A_295] : memref<16x10496xf32, #tpu.memory_space<hbm>> -> memref<1x5248xf32, #tpu.memory_space<hbm>>
      %dma_start3A_296 = tpu.memref_squeeze %dma_start3A : memref<1x5248xf32, #tpu.memory_space<hbm>> -> memref<5248xf32, #tpu.memory_space<hbm>>
      %dma_start3A_297 = tpu.memref_slice %arg7[%arg1, %mul3A_295] : memref<16x10496xf32, #tpu.memory_space<hbm>> -> memref<1x5248xf32, #tpu.memory_space<hbm>>
      %dma_start3A_298 = tpu.memref_squeeze %dma_start3A_297 : memref<1x5248xf32, #tpu.memory_space<hbm>> -> memref<5248xf32, #tpu.memory_space<hbm>>
      tpu.enqueue_dma source(%arg14 : memref<5248xf32, #tpu.memory_space<vmem>>) target(%dma_start3A_298 : memref<5248xf32, #tpu.memory_space<hbm>>) target_semaphore(%run_scoped3A : memref<!tpu.dma_semaphore, #tpu.memory_space<semaphore_mem>>)
      %dma_wait3A = tpu.memref_slice %arg7[%arg1, %mul3A_295] : memref<16x10496xf32, #tpu.memory_space<hbm>> -> memref<1x5248xf32, #tpu.memory_space<hbm>>
      %dma_wait3A_299 = tpu.memref_squeeze %dma_wait3A : memref<1x5248xf32, #tpu.memory_space<hbm>> -> memref<5248xf32, #tpu.memory_space<hbm>>
      %dma_wait3A_300 = tpu.memref_slice %arg7[%arg1, %mul3A_295] : memref<16x10496xf32, #tpu.memory_space<hbm>> -> memref<1x5248xf32, #tpu.memory_space<hbm>>
      %dma_wait3A_301 = tpu.memref_squeeze %dma_wait3A_300 : memref<1x5248xf32, #tpu.memory_space<hbm>> -> memref<5248xf32, #tpu.memory_space<hbm>>
      tpu.wait_dma2 semaphore(%run_scoped3A : memref<!tpu.dma_semaphore, #tpu.memory_space<semaphore_mem>>) src(%arg14 : memref<5248xf32, #tpu.memory_space<vmem>>) dst(%dma_wait3A_301 : memref<5248xf32, #tpu.memory_space<hbm>>)
      tpu.yield
    }) : () -> ()
    return
  }
}

module attributes {stable_mosaic.version = 14 : i64} {
  func.func @body(%arg0: memref<2x5248x128xf32, #tpu.memory_space<vmem>>, %arg1: memref<16x10496xf32, #tpu.memory_space<vmem>>, %arg2: memref<10000x128xf32, #tpu.memory_space<vmem>>, %arg3: memref<128x32xf32, #tpu.memory_space<vmem>>, %arg4: memref<1x32xf32, #tpu.memory_space<vmem>>, %arg5: memref<32x128xf32, #tpu.memory_space<vmem>>, %arg6: memref<1x128xf32, #tpu.memory_space<vmem>>, %arg7: memref<1x128xf32, #tpu.memory_space<vmem>>, %arg8: memref<1x128xf32, #tpu.memory_space<vmem>>, %arg9: memref<10000x128xf32, #tpu.memory_space<vmem>>) attributes {dimension_semantics = [], scalar_prefetch = 0 : i64, scratch_operands = 0 : i64, tpu.core_type = #tpu.core_type<tc>} {
    %get3A = arith.constant 0 : index
    %get3A_0 = arith.constant 0 : index
    %get3A_1 = arith.constant 0 : index
    %get3A_2 = vector.load %arg0[%get3A, %get3A_0, %get3A_1] : memref<2x5248x128xf32, #tpu.memory_space<vmem>>, vector<1x5120x128xf32>
    %get3A_3 = vector.shape_cast %get3A_2 : vector<1x5120x128xf32> to vector<5120x128xf32>
    %get3A_4 = arith.constant 1 : index
    %get3A_5 = arith.constant 0 : index
    %get3A_6 = arith.constant 0 : index
    %get3A_7 = vector.load %arg0[%get3A_4, %get3A_5, %get3A_6] : memref<2x5248x128xf32, #tpu.memory_space<vmem>>, vector<1x4880x128xf32>
    %get3A_8 = vector.shape_cast %get3A_7 : vector<1x4880x128xf32> to vector<4880x128xf32>
    %concatenate3A = tpu.concatenate %get3A_3, %get3A_8 in 0 : vector<5120x128xf32>, vector<4880x128xf32> -> vector<10000x128xf32>
    %broadcast_in_dim3A = arith.constant 1.000000e+00 : f32
    %broadcast_in_dim3A_9 = vector.broadcast %broadcast_in_dim3A : f32 to vector<16x1xf32>
    %get3A_10 = arith.constant 0 : index
    %get3A_11 = arith.constant 0 : index
    %get3A_12 = vector.load %arg1[%get3A_10, %get3A_11] : memref<16x10496xf32, #tpu.memory_space<vmem>>, vector<16x10496xf32>
    %dot_general3A = arith.constant dense<0.000000e+00> : vector<10496x1xf32>
    %dot_general3A_13 = tpu.matmul %get3A_12, %broadcast_in_dim3A_9, %dot_general3A {dimension_numbers = #tpu.dot_dimension_numbers<[0], [0], [1], [1], [0, 1, 1, 1], [], []>, transpose_lhs_hint = false} : vector<16x10496xf32>, vector<16x1xf32>, vector<10496x1xf32> -> vector<10496x1xf32>
    %slice3A = vector.extract_strided_slice %dot_general3A_13 {offsets = [0, 0], sizes = [5120, 1], strides = [1, 1]} : vector<10496x1xf32> to vector<5120x1xf32>
    %slice3A_14 = vector.extract_strided_slice %dot_general3A_13 {offsets = [5248, 0], sizes = [4880, 1], strides = [1, 1]} : vector<10496x1xf32> to vector<4880x1xf32>
    %concatenate3A_15 = tpu.concatenate %slice3A, %slice3A_14 in 0 : vector<5120x1xf32>, vector<4880x1xf32> -> vector<10000x1xf32>
    %max3A = arith.constant 1.000000e+00 : f32
    %max3A_16 = vector.broadcast %max3A : f32 to vector<10000x1xf32>
    %max3A_17 = arith.maximumf %concatenate3A_15, %max3A_16 : vector<10000x1xf32>
    %div3A = vector.broadcast %max3A_17 : vector<10000x1xf32> to vector<10000x128xf32>
    %div3A_18 = arith.divf %concatenate3A, %div3A : vector<10000x128xf32>
    %get3A_19 = arith.constant 0 : index
    %get3A_20 = arith.constant 0 : index
    %get3A_21 = vector.load %arg2[%get3A_19, %get3A_20] : memref<10000x128xf32, #tpu.memory_space<vmem>>, vector<10000x128xf32>
    %add3A = arith.addf %div3A_18, %get3A_21 : vector<10000x128xf32>
    %get3A_22 = arith.constant 0 : index
    %get3A_23 = arith.constant 0 : index
    %get3A_24 = vector.load %arg3[%get3A_22, %get3A_23] : memref<128x32xf32, #tpu.memory_space<vmem>>, vector<128x32xf32>
    %dot_general3A_25 = arith.constant dense<0.000000e+00> : vector<10000x32xf32>
    %dot_general3A_26 = tpu.matmul %add3A, %get3A_24, %dot_general3A_25 {dimension_numbers = #tpu.dot_dimension_numbers<[1], [0], [0], [1], [0, 0, 1, 1], [], []>, transpose_lhs_hint = false} : vector<10000x128xf32>, vector<128x32xf32>, vector<10000x32xf32> -> vector<10000x32xf32>
    %get3A_27 = arith.constant 0 : index
    %get3A_28 = arith.constant 0 : index
    %get3A_29 = vector.load %arg4[%get3A_27, %get3A_28] : memref<1x32xf32, #tpu.memory_space<vmem>>, vector<1x32xf32>
    %add3A_30 = vector.broadcast %get3A_29 : vector<1x32xf32> to vector<10000x32xf32>
    %add3A_31 = arith.addf %dot_general3A_26, %add3A_30 : vector<10000x32xf32>
    %max3A_32 = arith.constant 0.000000e+00 : f32
    %max3A_33 = vector.broadcast %max3A_32 : f32 to vector<10000x32xf32>
    %max3A_34 = arith.maximumf %add3A_31, %max3A_33 : vector<10000x32xf32>
    %get3A_35 = arith.constant 0 : index
    %get3A_36 = arith.constant 0 : index
    %get3A_37 = vector.load %arg5[%get3A_35, %get3A_36] : memref<32x128xf32, #tpu.memory_space<vmem>>, vector<32x128xf32>
    %dot_general3A_38 = arith.constant dense<0.000000e+00> : vector<10000x128xf32>
    %dot_general3A_39 = tpu.matmul %max3A_34, %get3A_37, %dot_general3A_38 {dimension_numbers = #tpu.dot_dimension_numbers<[1], [0], [0], [1], [0, 0, 1, 1], [], []>, transpose_lhs_hint = false} : vector<10000x32xf32>, vector<32x128xf32>, vector<10000x128xf32> -> vector<10000x128xf32>
    %get3A_40 = arith.constant 0 : index
    %get3A_41 = arith.constant 0 : index
    %get3A_42 = vector.load %arg6[%get3A_40, %get3A_41] : memref<1x128xf32, #tpu.memory_space<vmem>>, vector<1x128xf32>
    %add3A_43 = vector.broadcast %get3A_42 : vector<1x128xf32> to vector<10000x128xf32>
    %add3A_44 = arith.addf %dot_general3A_39, %add3A_43 : vector<10000x128xf32>
    %max3A_45 = arith.constant 0.000000e+00 : f32
    %max3A_46 = vector.broadcast %max3A_45 : f32 to vector<10000x128xf32>
    %max3A_47 = arith.maximumf %add3A_44, %max3A_46 : vector<10000x128xf32>
    %reduce_sum3A = arith.constant dense<0.000000e+00> : vector<128xf32>
    %reduce_sum3A_48 = vector.multi_reduction <add>, %max3A_47, %reduce_sum3A [0] : vector<10000x128xf32> to vector<128xf32>
    %broadcast_in_dim3A_49 = vector.shape_cast %reduce_sum3A_48 : vector<128xf32> to vector<1x128xf32>
    %div3A_50 = arith.constant 1.000000e+04 : f32
    %div3A_51 = vector.broadcast %div3A_50 : f32 to vector<1x128xf32>
    %div3A_52 = arith.divf %broadcast_in_dim3A_49, %div3A_51 : vector<1x128xf32>
    %sub3A = vector.broadcast %div3A_52 : vector<1x128xf32> to vector<10000x128xf32>
    %sub3A_53 = arith.subf %max3A_47, %sub3A : vector<10000x128xf32>
    %mul3A = arith.mulf %sub3A_53, %sub3A_53 : vector<10000x128xf32>
    %reduce_sum3A_54 = arith.constant dense<0.000000e+00> : vector<128xf32>
    %reduce_sum3A_55 = vector.multi_reduction <add>, %mul3A, %reduce_sum3A_54 [0] : vector<10000x128xf32> to vector<128xf32>
    %broadcast_in_dim3A_56 = vector.shape_cast %reduce_sum3A_55 : vector<128xf32> to vector<1x128xf32>
    %div3A_57 = arith.constant 1.000000e+04 : f32
    %div3A_58 = vector.broadcast %div3A_57 : f32 to vector<1x128xf32>
    %div3A_59 = arith.divf %broadcast_in_dim3A_56, %div3A_58 : vector<1x128xf32>
    %add3A_60 = arith.constant 9.99999974E-6 : f32
    %add3A_61 = vector.broadcast %add3A_60 : f32 to vector<1x128xf32>
    %add3A_62 = arith.addf %div3A_59, %add3A_61 : vector<1x128xf32>
    %rsqrt3A = math.rsqrt %add3A_62 : vector<1x128xf32>
    %mul3A_63 = vector.broadcast %rsqrt3A : vector<1x128xf32> to vector<10000x128xf32>
    %mul3A_64 = arith.mulf %sub3A_53, %mul3A_63 : vector<10000x128xf32>
    %get3A_65 = arith.constant 0 : index
    %get3A_66 = arith.constant 0 : index
    %get3A_67 = vector.load %arg7[%get3A_65, %get3A_66] : memref<1x128xf32, #tpu.memory_space<vmem>>, vector<1x128xf32>
    %mul3A_68 = vector.broadcast %get3A_67 : vector<1x128xf32> to vector<10000x128xf32>
    %mul3A_69 = arith.mulf %mul3A_64, %mul3A_68 : vector<10000x128xf32>
    %get3A_70 = arith.constant 0 : index
    %get3A_71 = arith.constant 0 : index
    %get3A_72 = vector.load %arg8[%get3A_70, %get3A_71] : memref<1x128xf32, #tpu.memory_space<vmem>>, vector<1x128xf32>
    %add3A_73 = vector.broadcast %get3A_72 : vector<1x128xf32> to vector<10000x128xf32>
    %add3A_74 = arith.addf %mul3A_69, %add3A_73 : vector<10000x128xf32>
    %swap3A = arith.constant 0 : index
    %swap3A_75 = arith.constant 0 : index
    %swap3A_76 = vector.load %arg9[%swap3A, %swap3A_75] : memref<10000x128xf32, #tpu.memory_space<vmem>>, vector<10000x128xf32>
    tpu.vector_store %arg9[%swap3A, %swap3A_75], %add3A_74 {strides = array<i32>} : memref<10000x128xf32, #tpu.memory_space<vmem>>, vector<10000x128xf32>,
    return
  }
}

</mosaic_0001>

<sc_bundles>
// kernel: kernel.4.cloned.1.call-start
scs
__scs_entry_jumppad:
0x0: {  	(pc) =	sbr.rel $0x88, $3  }
0x1: {  	(tag) =	ssettag $0x0;
	lr =	simm.s32 $0x1  }
0x2: {  	[smem:$0x3F99] =	sst lr;
	_ =	strace $0xD0000000  }
0x3: {  	_ = 	snop  }
0x4: {  	_ = 	snop  }
0x5: {  	_ = 	snop  }
0x6: {  	_ = 	snop  }
0x7: {  	_ = 	snop  }
__scs_overlays_trampoline_lowered:
0x8: {  	[smem:$0x3FA8] =	sst s0  }
0x9: {  	[smem:$0x3FA9] =	sst s1  }
0xa: {  	[smem:$0x3FAA] =	sst s2  }
0xb: {  	[smem:$0x3FAB] =	sst s3  }
0xc: {  	[smem:$0x3FAC] =	sst s4  }
0xd: {  	[smem:$0x3FAD] =	sst s5  }
0xe: {  	[smem:$0x3FAE] =	sst s6  }
0xf: {  	[smem:$0x3FAF] =	sst s7  }
0x10: {  	[smem:$0x3FB0] =	sst s8  }
0x11: {  	[smem:$0x3FB1] =	sst s9;
	s0 =	simm.s32 @!p0 $0x0  }
0x12: {  	s1 =	sld [smem:$0x3F97];
	s0 =	simm.s32 @p0 $0x1  }
0x13: {  	[smem:$0x3FB2] =	sst s0;
	s0 =	simm.s32 @!p1 $0x0  }
0x14: {  	s2 =	sld [smem:$0x3F96];
	s0 =	simm.s32 @p1 $0x1  }
0x15: {  	[smem:$0x3FB3] =	sst s0;
	s0 =	simm.s32 @!p2 $0x0  }
0x16: {  	s3 =	sld [smem:$0x3FDB];
	s0 =	simm.s32 @p2 $0x1  }
0x17: {  	s4 =	simm.s32 $0x1BF5;
	[smem:$0x3FB5] =	sst s0  }
0x18: {  	s0 =	sld [smem:$0x3F98];
	_ =	swait.ge [sflag:s4], $0x0  }
0x19: {  	s7 =	sld [smem:$0x3F99]  }
0x1a: {  	s8 =	sadd.s32 $0xFFFFE003, lr  }
0x1b: {  	s9 =	sadd.s32 $0xFFFFFEF7, lr;
	s5 =	simm.s32 $0xFFFFFFFF;
	p2 =	slt.u32 s8, $0xFFFFF086  }
0x1c: {  	p1 =	slt.u32 s9, $0xF7A;
	s5 =	simm.s32 @!p2 $0x0  }
0x1d: {  	s5 =	simm.s32 @p1 $0x1;
	p0 =	seq.s32 s7, s2  }
0x1e: {  	s7 =	smul.u32 @!p0 $0xF7A, s2;
	p2 =	seq.s32 @!p0 s5, $0x0  }
0x1f: {  	s9 =	smul.u32 $0xF7A, s1;
	s8 =	simm.s32 @!p0 $0x1BF5;
	p2 =	por !p2, p0  }
0x20: {  	[sflag:s8] =	ssyncset.s32 @!p0 $0xFFFFF086;
	s6 =	sadd.s32 @!p0 s3, s7;
	s7 =	simm.s32 @!p0 $0x108  }
0x21: {  	s3 =	sadd.s32 s3, s9;
	s6 =	sadd.s32 @!p0 $0x88, s6;
	s7 =	simm.s32 @p2 $0x1082  }
0x22: {  	[simem:s7], [sflag:s8] =	dma.local @!p0 [hbm:s6], $0xF7A  }
0x23: {  	s9 =	sor.u32 $0xD0000000, s2;
	s6 =	simm.s32 $0x108;
	_ =	swait.ge @!p0 [sflag:s8], $0x0  }
0x24: {  	s3 =	sadd.s32 $0x88, s3;
	s6 =	simm.s32 @!p1 $0x1082;
	[sflag:s4] =	ssyncset.s32 $0xFFFFF086  }
0x25: {  	[simem:s6], [sflag:s4] =	dma.local [hbm:s3], $0xF7A  }
0x26: {  	[smem:$0x3F99] =	sst s1;
	(tag) =	ssettag s2;
	_ =	strace s9  }
0x27: {  	s1 =	sld [smem:$0x3FA9]  }
0x28: {  	s2 =	sld [smem:$0x3FAA]  }
0x29: {  	s4 =	sld [smem:$0x3FAC]  }
0x2a: {  	p0 =	seq.s32 s5, $0x0;
	s5 =	sld [smem:$0x3FAD]  }
0x2b: {  	s6 =	sld [smem:$0x3FAE]  }
0x2c: {  	s7 =	sld [smem:$0x3FAF]  }
0x2d: {  	s3 =	simm.s32 $0x108;
	s8 =	sld [smem:$0x3FB0]  }
0x2e: {  	s3 =	simm.s32 @!p0 $0x1082;
	s9 =	sld [smem:$0x3FB1]  }
0x2f: {  	lr =	sadd.s32 s0, s3;
	s0 =	sld [smem:$0x3FA8]  }
0x30: {  	s3 =	sld [smem:$0x3FAB]  }
0x31: {  	[smem:$0x3FB4] =	sst s10  }
0x32: {  	s10 =	sld [smem:$0x3FB2];
	_ =	sdelay $0x3  }
0x33: {  	p0 =	seq.s32 s10, $0x1;
	s10 =	sld [smem:$0x3FB4];
	_ =	sdelay $0x3  }
0x34: {  	[smem:$0x3FB4] =	sst s10  }
0x35: {  	s10 =	sld [smem:$0x3FB3];
	_ =	sdelay $0x3  }
0x36: {  	p1 =	seq.s32 s10, $0x1;
	s10 =	sld [smem:$0x3FB4];
	_ =	sdelay $0x3  }
0x37: {  	[smem:$0x3FB4] =	sst s10  }
0x38: {  	s10 =	sld [smem:$0x3FB5]  }
0x39: {  	_ = 	snop;
	(pc) =	sbr.ind lr, $3  }
0x3a: {  	_ = 	snop  }
0x3b: {  	_ = 	snop  }
0x3c: {  	p2 =	seq.s32 s10, $0x1;
	s10 =	sld [smem:$0x3FB4]  }
0x3d: {  	_ =	shalt  }
0x3e: {  	_ =	shalt  }
0x3f: {  	_ =	shalt  }
0x40: {  	_ =	shalt  }
0x41: {  	_ =	shalt  }
0x42: {  	_ =	shalt  }
0x43: {  	_ =	shalt  }
0x44: {  	_ =	shalt  }
0x45: {  	_ =	shalt  }
0x46: {  	_ =	shalt  }
0x47: {  	_ =	shalt  }
0x48: {  	_ =	shalt  }
0x49: {  	_ =	shalt  }
0x4a: {  	_ =	shalt  }
0x4b: {  	_ =	shalt  }
0x4c: {  	_ =	shalt  }
0x4d: {  	_ =	shalt  }
0x4e: {  	_ =	shalt  }
0x4f: {  	_ =	shalt  }
0x50: {  	_ =	shalt  }
0x51: {  	_ =	shalt  }
0x52: {  	_ =	shalt  }
0x53: {  	_ =	shalt  }
0x54: {  	_ =	shalt  }
0x55: {  	_ =	shalt  }
0x56: {  	_ =	shalt  }
0x57: {  	_ =	shalt  }
0x58: {  	_ =	shalt  }
0x59: {  	_ =	shalt  }
0x5a: {  	_ =	shalt  }
0x5b: {  	_ =	shalt  }
0x5c: {  	_ =	shalt  }
0x5d: {  	_ =	shalt  }
0x5e: {  	_ =	shalt  }
0x5f: {  	_ =	shalt  }
0x60: {  	_ =	shalt  }
0x61: {  	_ =	shalt  }
0x62: {  	_ =	shalt  }
0x63: {  	_ =	shalt  }
0x64: {  	_ =	shalt  }
0x65: {  	_ =	shalt  }
0x66: {  	_ =	shalt  }
0x67: {  	_ =	shalt  }
0x68: {  	_ =	shalt  }
0x69: {  	_ =	shalt  }
0x6a: {  	_ =	shalt  }
0x6b: {  	_ =	shalt  }
0x6c: {  	_ =	shalt  }
0x6d: {  	_ =	shalt  }
0x6e: {  	_ =	shalt  }
0x6f: {  	_ =	shalt  }
0x70: {  	_ =	shalt  }
0x71: {  	_ =	shalt  }
0x72: {  	_ =	shalt  }
0x73: {  	_ =	shalt  }
0x74: {  	_ =	shalt  }
0x75: {  	_ =	shalt  }
0x76: {  	_ =	shalt  }
0x77: {  	_ =	shalt  }
0x78: {  	_ =	shalt  }
0x79: {  	_ =	shalt  }
0x7a: {  	_ =	shalt  }
0x7b: {  	_ =	shalt  }
0x7c: {  	_ =	shalt  }
0x7d: {  	_ =	shalt  }
0x7e: {  	_ =	shalt  }
0x7f: {  	_ =	shalt  }
0x80: {  	_ =	shalt  }
0x81: {  	_ =	shalt  }
0x82: {  	_ =	shalt  }
0x83: {  	_ =	shalt  }
0x84: {  	_ =	shalt  }
0x85: {  	_ =	shalt  }
0x86: {  	_ =	shalt  }
0x87: {  	_ =	shalt  }
.Lfunc_end0:
.L_simem_size_0:
called_computation_lowered:
.L_overlay_start_0:
0x88: {  	s2 =	sld [smem:$0x3FD9]  }
0x89: {  	s3 =	sld [smem:$0x3FFE];
	_ =	sdelay $0x1  }
0x8a: {  	s1 =	srdreg.scid  }
0x8b: {  	s0 =	sand.u32 $0x1, s1  }
0x8c: {  	s17 =	sshll.u32 s0, $0xA;
	s2 =	sadd.s32 s3, s2  }
0x8d: {  	s2 =	sadd.s32 s2, s17  }
0x8e: {  	[smem:$0x3FC0] =	sst s2  }
0x8f: {  	_ = 	snop  }
0x90: {  	s2 =	sld [smem:$0x3FC9]  }
0x91: {  	s18 =	sld [smem:$0x3FD0];
	(tm) =	ssettm $0x1  }
0x92: {  	s4 =	sld [smem:$0x3FFB];
	_ =	sdelay $0x3  }
0x93: {  	_ =	strace s4  }
0x94: {  	s4 =	sld [smem:$0x3FFC];
	_ =	sdelay $0x3  }
0x95: {  	_ =	strace s4  }
0x96: {  	s4 =	sld [smem:$0x3FFD];
	_ =	sdelay $0x3  }
0x97: {  	_ =	strace s4  }
0x98: {  	_ =	strace $0x8FFFFFFF  }
0x99: {  	s19 =	sld [smem:$0x3FDB];
	_ =	sdelay $0x1  }
0x9a: {  	s5 =	simm.s32 $_scs_section_size  }
0x9b: {  	s6 =	simm.s32 $_size__tile_overlayer_lowered;
	s7 =	simm.s32 $_tile_overlayer_lowered  }
0x9c: {  	s22 =	simm.s32 $0x1BFF;
	s21 =	sshll.u32 s7, $0x1;
	s4 =	sadd.s32 s5, s19  }
0x9d: {  	s8 =	simm.s32 $0x0;
	s20 =	sshll.u32 s6, $0x1;
	s6 =	sadd.s32 s21, s4  }
0x9e: {  	[timem:s8], [sflag:s22] =	dma.local [hbm:s6], s20  }
0x9f: {  	_ =	swait.ge [sflag:s22], s20  }
0xa0: {  	s5 =	ssub.s32 $0x0, s20;
	[sflag:s22] =	ssyncset.done $0x0  }
0xa1: {  	[sflag:s22] =	ssyncadd.s32 s5;
	_ =	sdelay $0x1  }
0xa2: {  	s23 =	simm.s32 $0x1B8B  }
0xa3: {  	_ =	swait.ge [sflag:s23], $0x1  }
0xa4: {  	[sflag:s23] =	ssyncset.done $0x0  }
0xa5: {  	s25 =	simm.s32 $0x1B8E;
	s24 =	sld [smem:$0x3FFE];
	[sflag:s23] =	ssyncadd.s32 $0xFFFFFFFF  }
0xa6: {  	s26 =	simm.s32 $execute0_lowered;
	[smem:$0x3FD2] =	sst s25  }
0xa7: {  	s6 =	sshll.u32 s26, $0x1;
	_ =	strace $0x80000046;
	[dreg:$0x1] =	wrdreg $0xFFFFFFFF  }
0xa8: {  	s28 =	simm.s32 $_size_execute0_lowered;
	s4 =	sadd.s32 s4, s6;
	[dreg:$0x0] =	wrdreg $0x0  }
0xa9: {  	s6 =	sshll.u32 s28, $0x1;
	[dreg:$0x2] =	wrdreg s4  }
0xaa: {  	[dreg:$0x3] =	wrdreg s6  }
0xab: {  	[dreg:$0x4] =	wrdreg $0xC0  }
0xac: {  	_ =	task [dreg:s8], $0x5FFFF  }
0xad: {  	[dreg:$0x1] =	wrdreg $0xFFFFFFFF  }
0xae: {  	[dreg:$0x0] =	wrdreg $0x60  }
0xaf: {  	[dreg:$0x2] =	wrdreg s2  }
0xb0: {  	[dreg:$0x3] =	wrdreg s24  }
0xb1: {  	[dreg:$0x4] =	wrdreg s18  }
0xb2: {  	[dreg:$0x5] =	wrdreg $0x10A800  }
0xb3: {  	[dreg:$0x6] =	wrdreg $0x9  }
0xb4: {  	_ =	task.clear_ibuf [dreg:s8], $0x7FFFF;
	_ =	strace $0x90000046  }
0xb5: {  	s29 =	simm.s32 $0x9;
	_ =	strace $0x80000048  }
0xb6: {  	_ =	swait.ge [sflag:s29], $0x1  }
0xb7: {  	[sflag:s29] =	ssyncadd.s32 $0xFFFFFFFF  }
0xb8: {  	_ =	strace $0x90000048  }
0xb9: {  	_ =	sfence  }
0xba: {  	s30 =	sld [smem:$0x0];
	_ =	sdelay $0x2  }
0xbb: {  	s31 =	sshll.u32 s1, $0xD;
	s1 =	sshrl.u32 s1, $0x2  }
0xbc: {  	s3 =	sand.u32 $0x4000, s31;
	s1 =	sadd.s32 s1, s30  }
0xbd: {  	s0 =	sor.u32 s3, s0;
	s1 =	sshll.u32 s1, $0x11  }
0xbe: {  	s0 =	sor.u32 s1, s0  }
0xbf: {  	s0 =	sadd.s32 $0x8F2B, s0  }
0xc0: {  	[sflag:s0] =	ssyncadd.remote.s32 $0x1  }
0xc1: {  	_ =	sfence.sel $0xFFFF  }
0xc2: {  	[dreg:$0x0] =	wrdreg $0xFFFFFFFF;
	(pc) =	sbr.abs _section_cstart, $3  }
0xc3: {  	[dreg:$0x1] =	wrdreg $0xFFFFFFFF  }
0xc4: {  	_ =	task.clear_ibuf [dreg:s8], $0x2FFFF;
	_ =	strace $0x9FFFFFFF  }
0xc5: {  	(tm) =	ssettm $0x7FFFFFFF  }
tec
execute0_lowered:
.L_overlay_start_1:
0x0: {  	(tag) =	ssettag $0x1  }
0x1: {  	s1 =	rddreg [dreg:$0x0]  }
0x2: {  	s7 =	rddreg [dreg:$0x1]  }
0x3: {  	s8 =	rddreg [dreg:$0x2]  }
0x4: {  	s3 =	rddreg [dreg:$0x3];
	s4 =	srdreg.scid  }
0x5: {  	s2 =	stileid.u32;
	s0 =	rddreg [dreg:$0x4];
	s17 =	simm.s32 $0x1  }
0x6: {  	s18 =	simm.s32 $0x80;
	s19 =	simm.s32 $0x6400;
	s20 =	simm.s32 $0x400  }
0x7: {  	s21 =	simm.s32 $0xF600;
	s22 =	simm.s32 $0x0;
	s10 =	smul.u32 $0xA400, s2  }
0x8: {  	s9 =	sand.u32 $0x1, s4;
	s4 =	simm.s32 $0x0;
	s15 =	smul.u32 $0x29000, s2  }
0x9: {  	s5 =	sshrl.u32 s2, $0x3;
	s6 =	sadd.s32 $0xB800, s7;
	s11 =	smul.u32 $0xA4000, s9  }
0xa: {  	s14 =	sshll.u32 s2, $0x7;
	s31 =	sshll.u32 s2, $0x6;
	s12 =	smul.u32 $0x14800, s5  }
0xb: {  	[smem:$0x7FF] =	sst s4;
	s5 =	sadd.s32 $0x1800, s7;
	s13 =	smul.u32 $0xA400, s9  }
0xc: {  	s24 =	sand.u32 $0x380, s14;
	s25 =	ssub.s32 $0x2, s9;
	s28 =	smul.u32 $0x1400, s9  }
0xd: {  	s9 =	smul.u32 $0x5000, s2;
	s14 =	simm.s32 $0x2;
	_ =	strace $0x80000047  }
0xe: {  	s26 =	sshrl.u32 s25, $0x1;
	s29 =	sshrl.u32 s15, $0x2;
	s30 =	sshrl.u32 s10, $0x3  }
0xf: {  	s11 =	sadd.s32 s10, s11;
	s12 =	sadd.s32 s13, s12;
	s13 =	ssub.s32 s25, s26  }
0x10: {  	s15 =	sadd.s32 s29, s3;
	s16 =	sadd.s32 $0x1400, s28;
	s12 =	sor.u32 s24, s12  }
0x11: {  	v1 =	vlaneseq.u32;
	s11 =	sshrl.u32 s11, $0x3;
	v2 =	vmov s16;
	s16 =	simm.s32 $0x1000;
	s12 =	sshrl.u32 s12, $0x3  }
0x12: {  	v3 =	vimm.s32 $0x0;
	v4 =	vimm.s32 $0x1400;
	v6 =	vimm.f32 $1.000000000e+00;
	s11 =	sadd.s32 s11, s7;
	s12 =	sadd.s32 s12, s7;
	s7 =	sadd.s32 s8, s30  }
0x13: {  	vm0 =	vcmask $0x1F10;
	vm1 =	vcmask $0x2F20;
	v5 =	vand.u32 $0x3, v1;
	s8 =	sor.u32 $0x1C02, s31;
	s10 =	sadd.s32 $0xC400, s11;
	s11 =	sadd.s32 $0x35400, s12  }
0x14: {  	vm2 =	vcmask $0x3F30;
	v5 =	vmul.u32 $0x1480, v5;
	v0 =	vmov s28;
	s12 =	smax.u32 s13, $0x1;
	s13 =	sshrl.u32 s15, $0x3;
	s15 =	simm.s32 $0xA400  }
.LBB2_1:
0x15: {  	[spmem:s13], [sflag:s8] =	dma.local [hbm:s7], $0x1480  }
0x16: {  	_ =	swait.ge [sflag:s14], $0x1480  }
0x17: {  	[sflag:s14] =	ssyncset.done $0x0  }
0x18: {  	[sflag:s14] =	ssyncadd.s32 $0xFFFFEB80  }
0x19: {  	[tilespmem:s15], [sflag:$0x2] =	stream.linear.gather [hbm4b:s6+s4], $0x5200, $0x38;
	[tilespmem:$0x1AE80] =	vst v63  }
0x1a: {  	_ =	swait.ge [sflag:s14], $0x5200  }
0x1b: {  	[sflag:s14] =	ssyncset.done $0x0  }
0x1c: {  	[sflag:s14] =	ssyncadd.s32 $0xFFFFAE00  }
0x1d: {  	s24 =	simm.s32 $0x0;
	s23 =	simm.s32 $0x0;
	[bflag:$0x0] =	sbarrier.arrive $0xFFFF  }
.LBB2_2:
0x1e: {  	s25 =	sshll.u32 s23, $0xC  }
0x1f: {  	s25 =	sadd.s32 s9, s25  }
0x20: {  	s25 =	sshrl.u32 s25, $0x3  }
0x21: {  	s26 =	simm.s32 $0x0;
	s25 =	sadd.s32 s5, s25  }
0x22: {  	[tilespmem:s26], [sflag:$0x2] =	stream.linear.gather [hbm4b:s25+s26], $0x1000, $0x38;
	[tilespmem:$0x1AE80] =	vst v63  }
0x23: {  	_ =	swait.ge [sflag:s14], $0x1000  }
0x24: {  	[sflag:s14] =	ssyncset.done $0x0  }
0x25: {  	s25 =	simm.s32 $0x0;
	[sflag:s14] =	ssyncadd.s32 $0xFFFFF000  }
0x26: {  	v7 =	vld [tilespmem:s25+$0x0];
	_ =	sdelay $0x4  }
0x27: {  	v8 =	vand.u32 $0x3FFF, v7  }
0x28: {  	vm3 =	vge.u32 v8, v0;
	vm4 =	vlt.u32 v8, v2  }
0x29: {  	v7 =	vsub.s32 v7, v0;
	vm3 =	vmand vm3, vm4  }
0x2a: {  	[tilespmem:s24+$0x1000] =	vst.msk vm3, v7  }
0x2b: {  	v8 =	vld [tilespmem:s25+$0x10]  }
0x2c: {  	v7 =	vsel vm3, $0x1, v3  }
0x2d: {  	(xrf0) =	vadd.scan.msk.s32 $0xffff, v7;
	_ =	sdelay $0x2  }
0x2e: {  	v7 =	vand.u32 $0x3FFF, v8;
	_ =	sdelay $0x2  }
0x2f: {  	vm3 =	vge.u32 v7, v0;
	vm4 =	vlt.u32 v7, v2;
	v7, _, _ =	vpop (xrf0)  }
0x30: {  	vm3 =	vmand vm3, vm4;
	(v2sf) =	vpush v7, $0xF  }
0x31: {  	v7 =	vsel vm3, $0x1, v3  }
0x32: {  	(xrf0) =	vadd.scan.msk.s32 $0xffff, v7;
	_ =	sdelay $0x5  }
0x33: {  	v7, _, _ =	vpop (xrf0)  }
0x34: {  	(v2sf) =	vpush v7, $0xF;
	_ =	sdelay $0x5  }
0x35: {  	s31 =	spop (v2sf)  }
0x36: {  	v7 =	vsub.s32 v8, v0;
	s26 =	sadd.s32 s24, s31  }
0x37: {  	[tilespmem:s26+$0x1000] =	vst.msk vm3, v7  }
0x38: {  	v7 =	vld [tilespmem:s25+$0x20];
	_ =	sdelay $0x4  }
0x39: {  	v8 =	vand.u32 $0x3FFF, v7  }
0x3a: {  	s29 =	spop (v2sf);
	vm3 =	vge.u32 v8, v0;
	vm4 =	vlt.u32 v8, v2  }
0x3b: {  	v7 =	vsub.s32 v7, v0;
	s24 =	sadd.s32 s26, s29;
	vm3 =	vmand vm3, vm4  }
0x3c: {  	[tilespmem:s24+$0x1000] =	vst.msk vm3, v7  }
0x3d: {  	v8 =	vld [tilespmem:s25+$0x30]  }
0x3e: {  	v7 =	vsel vm3, $0x1, v3  }
0x3f: {  	(xrf0) =	vadd.scan.msk.s32 $0xffff, v7;
	_ =	sdelay $0x2  }
0x40: {  	v7 =	vand.u32 $0x3FFF, v8;
	_ =	sdelay $0x2  }
0x41: {  	vm3 =	vge.u32 v7, v0;
	vm4 =	vlt.u32 v7, v2;
	v7, _, _ =	vpop (xrf0)  }
0x42: {  	vm3 =	vmand vm3, vm4;
	(v2sf) =	vpush v7, $0xF  }
0x43: {  	v7 =	vsel vm3, $0x1, v3  }
0x44: {  	(xrf0) =	vadd.scan.msk.s32 $0xffff, v7;
	_ =	sdelay $0x5  }
0x45: {  	v7, _, _ =	vpop (xrf0)  }
0x46: {  	(v2sf) =	vpush v7, $0xF;
	_ =	sdelay $0x5  }
0x47: {  	s30 =	spop (v2sf)  }
0x48: {  	v7 =	vsub.s32 v8, v0;
	s24 =	sadd.s32 s24, s30  }
0x49: {  	[tilespmem:s24+$0x1000] =	vst.msk vm3, v7  }
0x4a: {  	v7 =	vld [tilespmem:s25+$0x40];
	_ =	sdelay $0x4  }
0x4b: {  	v8 =	vand.u32 $0x3FFF, v7  }
0x4c: {  	s31 =	spop (v2sf);
	vm3 =	vge.u32 v8, v0;
	vm4 =	vlt.u32 v8, v2  }
0x4d: {  	v7 =	vsub.s32 v7, v0;
	s24 =	sadd.s32 s24, s31;
	vm3 =	vmand vm3, vm4  }
0x4e: {  	[tilespmem:s24+$0x1000] =	vst.msk vm3, v7  }
0x4f: {  	v8 =	vld [tilespmem:s25+$0x50]  }
0x50: {  	v7 =	vsel vm3, $0x1, v3  }
0x51: {  	(xrf0) =	vadd.scan.msk.s32 $0xffff, v7;
	_ =	sdelay $0x2  }
0x52: {  	v7 =	vand.u32 $0x3FFF, v8;
	_ =	sdelay $0x2  }
0x53: {  	vm3 =	vge.u32 v7, v0;
	vm4 =	vlt.u32 v7, v2;
	v7, _, _ =	vpop (xrf0)  }
0x54: {  	vm3 =	vmand vm3, vm4;
	(v2sf) =	vpush v7, $0xF  }
0x55: {  	v7 =	vsel vm3, $0x1, v3  }
0x56: {  	(xrf0) =	vadd.scan.msk.s32 $0xffff, v7;
	_ =	sdelay $0x5  }
0x57: {  	v7, _, _ =	vpop (xrf0)  }
0x58: {  	(v2sf) =	vpush v7, $0xF;
	_ =	sdelay $0x5  }
0x59: {  	s29 =	spop (v2sf)  }
0x5a: {  	v7 =	vsub.s32 v8, v0;
	s24 =	sadd.s32 s24, s29  }
0x5b: {  	[tilespmem:s24+$0x1000] =	vst.msk vm3, v7  }
0x5c: {  	v7 =	vld [tilespmem:s25+$0x60];
	_ =	sdelay $0x4  }
0x5d: {  	v8 =	vand.u32 $0x3FFF, v7  }
0x5e: {  	s30 =	spop (v2sf);
	vm3 =	vge.u32 v8, v0;
	vm4 =	vlt.u32 v8, v2  }
0x5f: {  	v7 =	vsub.s32 v7, v0;
	s24 =	sadd.s32 s24, s30;
	vm3 =	vmand vm3, vm4  }
0x60: {  	[tilespmem:s24+$0x1000] =	vst.msk vm3, v7  }
0x61: {  	v8 =	vld [tilespmem:s25+$0x70]  }
0x62: {  	v7 =	vsel vm3, $0x1, v3  }
0x63: {  	(xrf0) =	vadd.scan.msk.s32 $0xffff, v7;
	_ =	sdelay $0x2  }
0x64: {  	v7 =	vand.u32 $0x3FFF, v8;
	_ =	sdelay $0x2  }
0x65: {  	vm3 =	vge.u32 v7, v0;
	vm4 =	vlt.u32 v7, v2;
	v7, _, _ =	vpop (xrf0)  }
0x66: {  	vm3 =	vmand vm3, vm4;
	(v2sf) =	vpush v7, $0xF  }
0x67: {  	v7 =	vsel vm3, $0x1, v3  }
0x68: {  	(xrf0) =	vadd.scan.msk.s32 $0xffff, v7;
	_ =	sdelay $0x5  }
0x69: {  	v7, _, _ =	vpop (xrf0)  }
0x6a: {  	(v2sf) =	vpush v7, $0xF;
	_ =	sdelay $0x5  }
0x6b: {  	s31 =	spop (v2sf)  }
0x6c: {  	v7 =	vsub.s32 v8, v0;
	s28 =	sadd.s32 s24, s31  }
0x6d: {  	s24 =	simm.s32 $0x80;
	[tilespmem:s28+$0x1000] =	vst.msk vm3, v7  }
0x6e: {  	v7 =	vld [tilespmem:s24+$0x0];
	_ =	sdelay $0x4  }
0x6f: {  	v8 =	vand.u32 $0x3FFF, v7  }
0x70: {  	s25 =	simm.s32 $0x400;
	v7 =	vsub.s32 v7, v0;
	s26 =	spop (v2sf);
	vm3 =	vge.u32 v8, v0;
	vm4 =	vlt.u32 v8, v2  }
.LBB2_3:
0x71: {  	p0 =	sne.s32 s25, $0x3E00  }
0x72: {  	vm3 =	vmand vm3, vm4;
	s28 =	sadd.s32 s28, s26;
	s26 =	smov.u32 s25;
	s25 =	sadd.s32 $0x200, s25  }
0x73: {  	[tilespmem:s28+$0x1000] =	vst.msk vm3, v7;
	v7 =	vsel vm3, $0x1, v3  }
0x74: {  	v8 =	vld [tilespmem:s24+$0x10];
	(xrf0) =	vadd.scan.msk.s32 $0xffff, v7;
	_ =	sdelay $0x4  }
0x75: {  	v9 =	vand.u32 $0x3FFF, v8  }
0x76: {  	vm3 =	vge.u32 v9, v0;
	vm4 =	vlt.u32 v9, v2;
	v7, _, _ =	vpop (xrf0)  }
0x77: {  	vm3 =	vmand vm3, vm4;
	(v2sf) =	vpush v7, $0xF  }
0x78: {  	v7 =	vsel vm3, $0x1, v3  }
0x79: {  	(xrf0) =	vadd.scan.msk.s32 $0xffff, v7;
	_ =	sdelay $0x5  }
0x7a: {  	v7, _, _ =	vpop (xrf0)  }
0x7b: {  	(v2sf) =	vpush v7, $0xF;
	_ =	sdelay $0x5  }
0x7c: {  	s29 =	spop (v2sf)  }
0x7d: {  	v7 =	vsub.s32 v8, v0;
	s28 =	sadd.s32 s28, s29  }
0x7e: {  	[tilespmem:s28+$0x1000] =	vst.msk vm3, v7  }
0x7f: {  	v7 =	vld [tilespmem:s24+$0x20];
	_ =	sdelay $0x4  }
0x80: {  	v8 =	vand.u32 $0x3FFF, v7  }
0x81: {  	vm3 =	vge.u32 v8, v0;
	vm4 =	vlt.u32 v8, v2;
	s29 =	spop (v2sf)  }
0x82: {  	v7 =	vsub.s32 v7, v0;
	s28 =	sadd.s32 s28, s29;
	vm3 =	vmand vm3, vm4  }
0x83: {  	[tilespmem:s28+$0x1000] =	vst.msk vm3, v7;
	v7 =	vsel vm3, $0x1, v3  }
0x84: {  	v8 =	vld [tilespmem:s24+$0x30];
	(xrf0) =	vadd.scan.msk.s32 $0xffff, v7;
	_ =	sdelay $0x4  }
0x85: {  	v9 =	vand.u32 $0x3FFF, v8  }
0x86: {  	vm3 =	vge.u32 v9, v0;
	vm4 =	vlt.u32 v9, v2;
	v7, _, _ =	vpop (xrf0)  }
0x87: {  	vm3 =	vmand vm3, vm4;
	(v2sf) =	vpush v7, $0xF  }
0x88: {  	v7 =	vsel vm3, $0x1, v3  }
0x89: {  	(xrf0) =	vadd.scan.msk.s32 $0xffff, v7;
	_ =	sdelay $0x5  }
0x8a: {  	v7, _, _ =	vpop (xrf0)  }
0x8b: {  	(v2sf) =	vpush v7, $0xF;
	_ =	sdelay $0x5  }
0x8c: {  	s29 =	spop (v2sf)  }
0x8d: {  	v7 =	vsub.s32 v8, v0;
	s28 =	sadd.s32 s28, s29  }
0x8e: {  	[tilespmem:s28+$0x1000] =	vst.msk vm3, v7  }
0x8f: {  	v7 =	vld [tilespmem:s24+$0x40];
	_ =	sdelay $0x4  }
0x90: {  	v8 =	vand.u32 $0x3FFF, v7  }
0x91: {  	vm3 =	vge.u32 v8, v0;
	vm4 =	vlt.u32 v8, v2;
	s29 =	spop (v2sf)  }
0x92: {  	v7 =	vsub.s32 v7, v0;
	s28 =	sadd.s32 s28, s29;
	vm3 =	vmand vm3, vm4  }
0x93: {  	[tilespmem:s28+$0x1000] =	vst.msk vm3, v7;
	v7 =	vsel vm3, $0x1, v3  }
0x94: {  	v8 =	vld [tilespmem:s24+$0x50];
	(xrf0) =	vadd.scan.msk.s32 $0xffff, v7;
	_ =	sdelay $0x4  }
0x95: {  	v9 =	vand.u32 $0x3FFF, v8  }
0x96: {  	vm3 =	vge.u32 v9, v0;
	vm4 =	vlt.u32 v9, v2;
	v7, _, _ =	vpop (xrf0)  }
0x97: {  	vm3 =	vmand vm3, vm4;
	(v2sf) =	vpush v7, $0xF  }
0x98: {  	v7 =	vsel vm3, $0x1, v3  }
0x99: {  	(xrf0) =	vadd.scan.msk.s32 $0xffff, v7;
	_ =	sdelay $0x5  }
0x9a: {  	v7, _, _ =	vpop (xrf0)  }
0x9b: {  	(v2sf) =	vpush v7, $0xF;
	_ =	sdelay $0x5  }
0x9c: {  	s29 =	spop (v2sf)  }
0x9d: {  	v7 =	vsub.s32 v8, v0;
	s28 =	sadd.s32 s28, s29  }
0x9e: {  	[tilespmem:s28+$0x1000] =	vst.msk vm3, v7  }
0x9f: {  	v7 =	vld [tilespmem:s24+$0x60];
	_ =	sdelay $0x4  }
0xa0: {  	v8 =	vand.u32 $0x3FFF, v7  }
0xa1: {  	vm3 =	vge.u32 v8, v0;
	vm4 =	vlt.u32 v8, v2;
	s29 =	spop (v2sf)  }
0xa2: {  	v7 =	vsub.s32 v7, v0;
	s28 =	sadd.s32 s28, s29;
	vm3 =	vmand vm3, vm4  }
0xa3: {  	[tilespmem:s28+$0x1000] =	vst.msk vm3, v7;
	v7 =	vsel vm3, $0x1, v3  }
0xa4: {  	v8 =	vld [tilespmem:s24+$0x70];
	(xrf0) =	vadd.scan.msk.s32 $0xffff, v7;
	_ =	sdelay $0x4  }
0xa5: {  	v9 =	vand.u32 $0x3FFF, v8  }
0xa6: {  	vm3 =	vge.u32 v9, v0;
	vm4 =	vlt.u32 v9, v2;
	v7, _, _ =	vpop (xrf0)  }
0xa7: {  	vm3 =	vmand vm3, vm4;
	(v2sf) =	vpush v7, $0xF  }
0xa8: {  	v7 =	vsel vm3, $0x1, v3  }
0xa9: {  	(xrf0) =	vadd.scan.msk.s32 $0xffff, v7;
	_ =	sdelay $0x5  }
0xaa: {  	v7, _, _ =	vpop (xrf0)  }
0xab: {  	(v2sf) =	vpush v7, $0xF;
	_ =	sdelay $0x5  }
0xac: {  	s24 =	spop (v2sf)  }
0xad: {  	v7 =	vsub.s32 v8, v0;
	s28 =	sadd.s32 s28, s24  }
0xae: {  	s24 =	sshra.s32 s26, $0x2;
	[tilespmem:s28+$0x1000] =	vst.msk vm3, v7  }
0xaf: {  	v7 =	vld [tilespmem:s24+$0x0];
	_ =	sdelay $0x1  }
.Ltmp0:
0xb0: {  	(pc) =	sbr.rel @p0 .LBB2_3-.Ltmp0, $3  }
0xb1: {  	_ =	sdelay $0x1  }
0xb2: {  	v8 =	vand.u32 $0x3FFF, v7;
	v7 =	vsub.s32 v7, v0  }
0xb3: {  	vm3 =	vge.u32 v8, v0;
	vm4 =	vlt.u32 v8, v2;
	s26 =	spop (v2sf)  }
0xb4: {  	vm3 =	vmand vm3, vm4;
	s25 =	sadd.s32 s28, s26  }
0xb5: {  	[tilespmem:s25+$0x1000] =	vst.msk vm3, v7  }
0xb6: {  	v8 =	vld [tilespmem:s24+$0x10]  }
0xb7: {  	v7 =	vsel vm3, $0x1, v3  }
0xb8: {  	(xrf0) =	vadd.scan.msk.s32 $0xffff, v7;
	_ =	sdelay $0x2  }
0xb9: {  	v7 =	vand.u32 $0x3FFF, v8;
	_ =	sdelay $0x2  }
0xba: {  	vm3 =	vge.u32 v7, v0;
	vm9 =	vlt.u32 v7, v2;
	v7, _, _ =	vpop (xrf0)  }
0xbb: {  	vm3 =	vmand vm3, vm9;
	(v2sf) =	vpush v7, $0xF  }
0xbc: {  	v7 =	vsel vm3, $0x1, v3  }
0xbd: {  	(xrf0) =	vadd.scan.msk.s32 $0xffff, v7;
	_ =	sdelay $0x5  }
0xbe: {  	v7, _, _ =	vpop (xrf0)  }
0xbf: {  	(v2sf) =	vpush v7, $0xF;
	_ =	sdelay $0x5  }
0xc0: {  	s28 =	spop (v2sf)  }
0xc1: {  	v7 =	vsub.s32 v8, v0;
	s25 =	sadd.s32 s25, s28  }
0xc2: {  	[tilespmem:s25+$0x1000] =	vst.msk vm3, v7  }
0xc3: {  	v7 =	vld [tilespmem:s24+$0x20];
	_ =	sdelay $0x4  }
0xc4: {  	v8 =	vand.u32 $0x3FFF, v7  }
0xc5: {  	s29 =	spop (v2sf);
	vm3 =	vge.u32 v8, v0;
	vm10 =	vlt.u32 v8, v2  }
0xc6: {  	v7 =	vsub.s32 v7, v0;
	s25 =	sadd.s32 s25, s29;
	vm3 =	vmand vm3, vm10  }
0xc7: {  	[tilespmem:s25+$0x1000] =	vst.msk vm3, v7  }
0xc8: {  	v8 =	vld [tilespmem:s24+$0x30]  }
0xc9: {  	v7 =	vsel vm3, $0x1, v3  }
0xca: {  	(xrf0) =	vadd.scan.msk.s32 $0xffff, v7;
	_ =	sdelay $0x2  }
0xcb: {  	v7 =	vand.u32 $0x3FFF, v8;
	_ =	sdelay $0x2  }
0xcc: {  	vm3 =	vge.u32 v7, v0;
	vm11 =	vlt.u32 v7, v2;
	v7, _, _ =	vpop (xrf0)  }
0xcd: {  	vm3 =	vmand vm3, vm11;
	(v2sf) =	vpush v7, $0xF  }
0xce: {  	v7 =	vsel vm3, $0x1, v3  }
0xcf: {  	(xrf0) =	vadd.scan.msk.s32 $0xffff, v7;
	_ =	sdelay $0x5  }
0xd0: {  	v7, _, _ =	vpop (xrf0)  }
0xd1: {  	(v2sf) =	vpush v7, $0xF;
	_ =	sdelay $0x5  }
0xd2: {  	s30 =	spop (v2sf)  }
0xd3: {  	v7 =	vsub.s32 v8, v0;
	s25 =	sadd.s32 s25, s30  }
0xd4: {  	[tilespmem:s25+$0x1000] =	vst.msk vm3, v7  }
0xd5: {  	v7 =	vld [tilespmem:s24+$0x40];
	_ =	sdelay $0x4  }
0xd6: {  	v8 =	vand.u32 $0x3FFF, v7  }
0xd7: {  	s31 =	spop (v2sf);
	vm3 =	vge.u32 v8, v0;
	vm12 =	vlt.u32 v8, v2  }
0xd8: {  	v7 =	vsub.s32 v7, v0;
	s25 =	sadd.s32 s25, s31;
	vm3 =	vmand vm3, vm12  }
0xd9: {  	[tilespmem:s25+$0x1000] =	vst.msk vm3, v7  }
0xda: {  	v8 =	vld [tilespmem:s24+$0x50]  }
0xdb: {  	v7 =	vsel vm3, $0x1, v3  }
0xdc: {  	(xrf0) =	vadd.scan.msk.s32 $0xffff, v7;
	_ =	sdelay $0x2  }
0xdd: {  	v7 =	vand.u32 $0x3FFF, v8;
	_ =	sdelay $0x2  }
0xde: {  	vm3 =	vge.u32 v7, v0;
	vm13 =	vlt.u32 v7, v2;
	v7, _, _ =	vpop (xrf0)  }
0xdf: {  	vm3 =	vmand vm3, vm13;
	(v2sf) =	vpush v7, $0xF  }
0xe0: {  	v7 =	vsel vm3, $0x1, v3  }
0xe1: {  	(xrf0) =	vadd.scan.msk.s32 $0xffff, v7;
	_ =	sdelay $0x5  }
0xe2: {  	v7, _, _ =	vpop (xrf0)  }
0xe3: {  	(v2sf) =	vpush v7, $0xF;
	_ =	sdelay $0x5  }
0xe4: {  	s28 =	spop (v2sf)  }
0xe5: {  	v7 =	vsub.s32 v8, v0;
	s25 =	sadd.s32 s25, s28  }
0xe6: {  	[tilespmem:s25+$0x1000] =	vst.msk vm3, v7  }
0xe7: {  	v7 =	vld [tilespmem:s24+$0x60];
	_ =	sdelay $0x4  }
0xe8: {  	v8 =	vand.u32 $0x3FFF, v7  }
0xe9: {  	s29 =	spop (v2sf);
	vm3 =	vge.u32 v8, v0;
	vm14 =	vlt.u32 v8, v2  }
0xea: {  	v7 =	vsub.s32 v7, v0;
	s25 =	sadd.s32 s25, s29;
	vm3 =	vmand vm3, vm14  }
0xeb: {  	[tilespmem:s25+$0x1000] =	vst.msk vm3, v7  }
0xec: {  	v7 =	vld [tilespmem:s24+$0x70];
	_ =	sdelay $0x4  }
0xed: {  	v8 =	vand.u32 $0x3FFF, v7  }
0xee: {  	vm15 =	vge.u32 v8, v0;
	vm5 =	vlt.u32 v8, v2  }
0xef: {  	v8 =	vsel vm3, $0x1, v3;
	vm3 =	vmand vm15, vm5  }
0xf0: {  	(xrf0) =	vadd.scan.msk.s32 $0xffff, v8;
	v8 =	vsel vm3, $0x1, v3  }
0xf1: {  	(xrf0) =	vadd.scan.msk.s32 $0xffff, v8;
	_ =	sdelay $0x4  }
0xf2: {  	v8, _, _ =	vpop (xrf0)  }
0xf3: {  	(v2sf) =	vpush v8, $0xF;
	v8, _, _ =	vpop (xrf0)  }
0xf4: {  	(v2sf) =	vpush v8, $0xF;
	_ =	sdelay $0x9  }
0xf5: {  	s23 =	sadd.s32 $0x1, s23  }
0xf6: {  	p0 =	sne.s32 s23, $0x5  }
.Ltmp1:
0xf7: {  	_ = 	snop;
	(pc) =	sbr.rel @p0 .LBB2_2-.Ltmp1, $4  }
0xf8: {  	_ = 	snop  }
0xf9: {  	s30 =	spop (v2sf)  }
0xfa: {  	v7 =	vsub.s32 v7, v0;
	s24 =	sadd.s32 s25, s30;
	s31 =	spop (v2sf)  }
0xfb: {  	[tilespmem:s24+$0x1000] =	vst.msk vm3, v7;
	s24 =	sadd.s32 s24, s31  }
0xfc: {  	v7 =	vadd.s32 s24, v1;
	s23 =	sadd.s32 $0x10, s24  }
0xfd: {  	s26 =	sadd.s32 $0x20, s24;
	v8 =	vadd.s32 s23, v1  }
0xfe: {  	s28 =	sadd.s32 $0x30, s24;
	v9 =	vadd.s32 s26, v1  }
0xff: {  	s29 =	sadd.s32 $0x40, s24;
	v10 =	vadd.s32 s28, v1  }
0x100: {  	s30 =	sadd.s32 $0x50, s24;
	v11 =	vadd.s32 s29, v1  }
0x101: {  	s31 =	sadd.s32 $0x60, s24;
	[tilespmem:v7+s16+$0x0] =	vst.idx.msk $0xffff, v4;
	v7 =	vadd.s32 s30, v1  }
0x102: {  	s25 =	sadd.s32 $0x70, s24;
	[tilespmem:v8+s16+$0x0] =	vst.idx.msk $0xffff, v4;
	v8 =	vadd.s32 s31, v1  }
0x103: {  	v42 =	vadd.s32 s25, v1;
	s26 =	sadd.s32 $0x80, s24;
	[tilespmem:v9+s16+$0x0] =	vst.idx.msk $0xffff, v4  }
0x104: {  	s28 =	sadd.s32 $0x90, s24;
	v43 =	vadd.s32 s26, v1;
	[tilespmem:v10+s16+$0x0] =	vst.idx.msk $0xffff, v4  }
0x105: {  	s29 =	sadd.s32 $0xA0, s24;
	v44 =	vadd.s32 s28, v1;
	[tilespmem:v11+s16+$0x0] =	vst.idx.msk $0xffff, v4  }
0x106: {  	s30 =	sadd.s32 $0xB0, s24;
	[tilespmem:v7+s16+$0x0] =	vst.idx.msk $0xffff, v4;
	v7 =	vadd.s32 s29, v1  }
0x107: {  	s31 =	sadd.s32 $0xC0, s24;
	[tilespmem:v8+s16+$0x0] =	vst.idx.msk $0xffff, v4;
	v8 =	vadd.s32 s30, v1  }
0x108: {  	s25 =	sadd.s32 $0xD0, s24;
	v45 =	vadd.s32 s31, v1;
	[tilespmem:v42+s16+$0x0] =	vst.idx.msk $0xffff, v4  }
0x109: {  	v46 =	vadd.s32 s25, v1;
	s26 =	sadd.s32 $0xE0, s24;
	[tilespmem:v43+s16+$0x0] =	vst.idx.msk $0xffff, v4  }
0x10a: {  	s28 =	sadd.s32 $0xF0, s24;
	v47 =	vadd.s32 s26, v1;
	[tilespmem:v44+s16+$0x0] =	vst.idx.msk $0xffff, v4  }
0x10b: {  	s29 =	sadd.s32 $0x100, s24;
	[tilespmem:v7+s16+$0x0] =	vst.idx.msk $0xffff, v4;
	v7 =	vadd.s32 s28, v1  }
0x10c: {  	[tilespmem:v8+s16+$0x0] =	vst.idx.msk $0xffff, v4;
	v8 =	vadd.s32 s29, v1  }
0x10d: {  	[tilespmem:v45+s16+$0x0] =	vst.idx.msk $0xffff, v4  }
0x10e: {  	[tilespmem:v46+s16+$0x0] =	vst.idx.msk $0xffff, v4  }
0x10f: {  	[tilespmem:v47+s16+$0x0] =	vst.idx.msk $0xffff, v4  }
0x110: {  	[tilespmem:v7+s16+$0x0] =	vst.idx.msk $0xffff, v4  }
0x111: {  	[tilespmem:v8+s16+$0x0] =	vst.idx.msk $0xffff, v4  }
0x112: {  	v7 =	vld [tilespmem:$0x1000];
	_ =	sdelay $0x4  }
0x113: {  	v8 =	vand.u32 $0x3FFF, v7  }
0x114: {  	v48 =	vadd.s32 v5, v8  }
0x115: {  	v49 =	vand.u32 $0x7F, v7;
	v9 =	vand.u32 $0x7F80, v48  }
0x116: {  	v9 =	vor.u32 v49, v9;
	_ =	sdelay $0x1  }
0x117: {  	v7 =	vshra.s32 v7, $0xE  }
0x118: {  	[tilespmem:$0x6200] =	vst v7  }
0x119: {  	[tilespmem:$0x6300] =	vst v8  }
0x11a: {  	[tilespmem:v9+s15+$0x0] =	vst.idx.add.f32.msk $0xf, v6  }
0x11b: {  	[tilespmem:v9+s15+$0x0] =	vst.idx.add.f32.msk vm0, v6  }
0x11c: {  	[tilespmem:v9+s15+$0x0] =	vst.idx.add.f32.msk vm1, v6  }
0x11d: {  	[tilespmem:v9+s15+$0x0] =	vst.idx.add.f32.msk vm2, v6  }
0x11e: {  	v7 =	vld [tilespmem:$0x1010];
	_ =	sdelay $0x4  }
0x11f: {  	v8 =	vand.u32 $0x3FFF, v7  }
0x120: {  	v50 =	vadd.s32 v5, v8  }
0x121: {  	v51 =	vand.u32 $0x7F, v7;
	v9 =	vand.u32 $0x7F80, v50  }
0x122: {  	v9 =	vor.u32 v51, v9;
	_ =	sdelay $0x1  }
0x123: {  	v7 =	vshra.s32 v7, $0xE  }
0x124: {  	[tilespmem:$0x6210] =	vst v7  }
0x125: {  	[tilespmem:$0x6310] =	vst v8  }
0x126: {  	[tilespmem:v9+s15+$0x0] =	vst.idx.add.f32.msk $0xf, v6  }
0x127: {  	[tilespmem:v9+s15+$0x0] =	vst.idx.add.f32.msk vm0, v6  }
0x128: {  	[tilespmem:v9+s15+$0x0] =	vst.idx.add.f32.msk vm1, v6  }
0x129: {  	[tilespmem:v9+s15+$0x0] =	vst.idx.add.f32.msk vm2, v6  }
0x12a: {  	v7 =	vld [tilespmem:$0x1020];
	_ =	sdelay $0x4  }
0x12b: {  	v8 =	vand.u32 $0x3FFF, v7  }
0x12c: {  	v52 =	vadd.s32 v5, v8  }
0x12d: {  	v53 =	vand.u32 $0x7F, v7;
	v9 =	vand.u32 $0x7F80, v52  }
0x12e: {  	v9 =	vor.u32 v53, v9;
	_ =	sdelay $0x1  }
0x12f: {  	v7 =	vshra.s32 v7, $0xE  }
0x130: {  	[tilespmem:$0x6220] =	vst v7  }
0x131: {  	[tilespmem:$0x6320] =	vst v8  }
0x132: {  	[tilespmem:v9+s15+$0x0] =	vst.idx.add.f32.msk $0xf, v6  }
0x133: {  	[tilespmem:v9+s15+$0x0] =	vst.idx.add.f32.msk vm0, v6  }
0x134: {  	[tilespmem:v9+s15+$0x0] =	vst.idx.add.f32.msk vm1, v6  }
0x135: {  	[tilespmem:v9+s15+$0x0] =	vst.idx.add.f32.msk vm2, v6  }
0x136: {  	v7 =	vld [tilespmem:$0x1030];
	_ =	sdelay $0x4  }
0x137: {  	v8 =	vand.u32 $0x3FFF, v7  }
0x138: {  	v54 =	vadd.s32 v5, v8  }
0x139: {  	v55 =	vand.u32 $0x7F, v7;
	v9 =	vand.u32 $0x7F80, v54  }
0x13a: {  	v9 =	vor.u32 v55, v9;
	_ =	sdelay $0x1  }
0x13b: {  	v7 =	vshra.s32 v7, $0xE  }
0x13c: {  	[tilespmem:$0x6230] =	vst v7  }
0x13d: {  	[tilespmem:$0x6330] =	vst v8  }
0x13e: {  	[tilespmem:v9+s15+$0x0] =	vst.idx.add.f32.msk $0xf, v6  }
0x13f: {  	[tilespmem:v9+s15+$0x0] =	vst.idx.add.f32.msk vm0, v6  }
0x140: {  	[tilespmem:v9+s15+$0x0] =	vst.idx.add.f32.msk vm1, v6  }
0x141: {  	[tilespmem:v9+s15+$0x0] =	vst.idx.add.f32.msk vm2, v6  }
0x142: {  	v7 =	vld [tilespmem:$0x1040];
	_ =	sdelay $0x4  }
0x143: {  	v8 =	vand.u32 $0x3FFF, v7  }
0x144: {  	v56 =	vadd.s32 v5, v8  }
0x145: {  	v57 =	vand.u32 $0x7F, v7;
	v9 =	vand.u32 $0x7F80, v56  }
0x146: {  	v9 =	vor.u32 v57, v9;
	_ =	sdelay $0x1  }
0x147: {  	v7 =	vshra.s32 v7, $0xE  }
0x148: {  	[tilespmem:$0x6240] =	vst v7  }
0x149: {  	[tilespmem:$0x6340] =	vst v8  }
0x14a: {  	[tilespmem:v9+s15+$0x0] =	vst.idx.add.f32.msk $0xf, v6  }
0x14b: {  	[tilespmem:v9+s15+$0x0] =	vst.idx.add.f32.msk vm0, v6  }
0x14c: {  	[tilespmem:v9+s15+$0x0] =	vst.idx.add.f32.msk vm1, v6  }
0x14d: {  	[tilespmem:v9+s15+$0x0] =	vst.idx.add.f32.msk vm2, v6  }
0x14e: {  	v7 =	vld [tilespmem:$0x1050];
	_ =	sdelay $0x4  }
0x14f: {  	v8 =	vand.u32 $0x3FFF, v7  }
0x150: {  	v58 =	vadd.s32 v5, v8  }
0x151: {  	v59 =	vand.u32 $0x7F, v7;
	v9 =	vand.u32 $0x7F80, v58  }
0x152: {  	v9 =	vor.u32 v59, v9;
	_ =	sdelay $0x1  }
0x153: {  	v7 =	vshra.s32 v7, $0xE  }
0x154: {  	[tilespmem:$0x6250] =	vst v7  }
0x155: {  	[tilespmem:$0x6350] =	vst v8  }
0x156: {  	[tilespmem:v9+s15+$0x0] =	vst.idx.add.f32.msk $0xf, v6  }
0x157: {  	[tilespmem:v9+s15+$0x0] =	vst.idx.add.f32.msk vm0, v6  }
0x158: {  	[tilespmem:v9+s15+$0x0] =	vst.idx.add.f32.msk vm1, v6  }
0x159: {  	[tilespmem:v9+s15+$0x0] =	vst.idx.add.f32.msk vm2, v6  }
0x15a: {  	v7 =	vld [tilespmem:$0x1060];
	_ =	sdelay $0x4  }
0x15b: {  	v8 =	vand.u32 $0x3FFF, v7  }
0x15c: {  	v60 =	vadd.s32 v5, v8  }
0x15d: {  	v61 =	vand.u32 $0x7F, v7;
	v9 =	vand.u32 $0x7F80, v60  }
0x15e: {  	v9 =	vor.u32 v61, v9;
	_ =	sdelay $0x1  }
0x15f: {  	v7 =	vshra.s32 v7, $0xE  }
0x160: {  	[tilespmem:$0x6260] =	vst v7  }
0x161: {  	[tilespmem:$0x6360] =	vst v8  }
0x162: {  	[tilespmem:v9+s15+$0x0] =	vst.idx.add.f32.msk $0xf, v6  }
0x163: {  	[tilespmem:v9+s15+$0x0] =	vst.idx.add.f32.msk vm0, v6  }
0x164: {  	[tilespmem:v9+s15+$0x0] =	vst.idx.add.f32.msk vm1, v6  }
0x165: {  	[tilespmem:v9+s15+$0x0] =	vst.idx.add.f32.msk vm2, v6  }
0x166: {  	v7 =	vld [tilespmem:$0x1070];
	_ =	sdelay $0x3  }
0x167: {  	s30 =	sadd.s32 $0x7F, s24  }
0x168: {  	s24 =	sand.u32 $0x7F, s30;
	v8 =	vand.u32 $0x3FFF, v7  }
0x169: {  	s31 =	sshra.s32 s30, $0x1F;
	p1 =	slt.s32 s30, $0x1;
	p0 =	sne.s32 s24, $0x0;
	v62 =	vadd.s32 v5, v8  }
0x16a: {  	s24 =	sshrl.u32 s31, $0x19;
	p0 =	por !p1, !p0;
	v63 =	vand.u32 $0x7F, v7;
	v9 =	vand.u32 $0x7F80, v62  }
0x16b: {  	s23 =	sadd.s32 s24, s30;
	s24 =	simm.s32 $0x1;
	p0 =	por !p0, !p0;
	v9 =	vor.u32 v63, v9  }
0x16c: {  	s23 =	sshra.s32 s23, $0x7;
	s24 =	simm.s32 @!p0 $0x0  }
0x16d: {  	s23 =	ssub.s32 s23, s24;
	v7 =	vshra.s32 v7, $0xE  }
0x16e: {  	p0 =	slt.s32 s23, $0x1;
	[tilespmem:$0x6270] =	vst v7  }
.Ltmp2:
0x16f: {  	[tilespmem:$0x6370] =	vst v8;
	(pc) =	sbr.rel @p0 .LBB2_8-.Ltmp2, $4  }
0x170: {  	[tilespmem:v9+s15+$0x0] =	vst.idx.add.f32.msk $0xf, v6  }
0x171: {  	[tilespmem:v9+s15+$0x0] =	vst.idx.add.f32.msk vm0, v6  }
0x172: {  	[tilespmem:v9+s15+$0x0] =	vst.idx.add.f32.msk vm1, v6  }
0x173: {  	[tilespmem:v9+s15+$0x0] =	vst.idx.add.f32.msk vm2, v6  }
0x174: {  	s24 =	simm.s32 $0x0;
	s25 =	simm.s32 $0x10F0  }
.LBB2_7:
0x175: {  	s26 =	sand.u32 $0x80, s24  }
0x176: {  	s28 =	sor.u32 $0x6200, s26  }
0x177: {  	[tilespmem:s19], [sflag:$0x1] =	stream.indirect.gather [hbm4b:s1+s18], $0x80, s28, s18, $0xb8;
	[tilespmem:$0x1AE80] =	vst v63  }
0x178: {  	v7 =	vld [tilespmem:s25+$0xFFFFFF90];
	_ =	sdelay $0x4  }
0x179: {  	v8 =	vand.u32 $0x3FFF, v7  }
0x17a: {  	v9 =	vadd.s32 v5, v8  }
0x17b: {  	v10 =	vand.u32 $0x7F, v7;
	v9 =	vand.u32 $0x7F80, v9  }
0x17c: {  	v9 =	vor.u32 v10, v9;
	_ =	sdelay $0x1  }
0x17d: {  	s29 =	sxor.u32 $0x80, s26;
	v7 =	vshra.s32 v7, $0xE  }
0x17e: {  	[tilespmem:s29+$0x6200] =	vst v7  }
0x17f: {  	[tilespmem:s29+$0x6300] =	vst v8  }
0x180: {  	[tilespmem:v9+s15+$0x0] =	vst.idx.add.f32.msk $0xf, v6  }
0x181: {  	[tilespmem:v9+s15+$0x0] =	vst.idx.add.f32.msk vm0, v6  }
0x182: {  	[tilespmem:v9+s15+$0x0] =	vst.idx.add.f32.msk vm1, v6  }
0x183: {  	[tilespmem:v9+s15+$0x0] =	vst.idx.add.f32.msk vm2, v6  }
0x184: {  	v7 =	vld [tilespmem:s25+$0xFFFFFFA0];
	_ =	sdelay $0x4  }
0x185: {  	v8 =	vand.u32 $0x3FFF, v7  }
0x186: {  	v50 =	vadd.s32 v5, v8  }
0x187: {  	v51 =	vand.u32 $0x7F, v7;
	v9 =	vand.u32 $0x7F80, v50  }
0x188: {  	v9 =	vor.u32 v51, v9;
	_ =	sdelay $0x1  }
0x189: {  	s30 =	sxor.u32 $0x6290, s26;
	v7 =	vshra.s32 v7, $0xE  }
0x18a: {  	s31 =	sxor.u32 $0x6390, s26;
	[tilespmem:s30+$0x0] =	vst v7  }
0x18b: {  	[tilespmem:s31+$0x0] =	vst v8  }
0x18c: {  	[tilespmem:v9+s15+$0x0] =	vst.idx.add.f32.msk $0xf, v6  }
0x18d: {  	[tilespmem:v9+s15+$0x0] =	vst.idx.add.f32.msk vm0, v6  }
0x18e: {  	[tilespmem:v9+s15+$0x0] =	vst.idx.add.f32.msk vm1, v6  }
0x18f: {  	[tilespmem:v9+s15+$0x0] =	vst.idx.add.f32.msk vm2, v6  }
0x190: {  	v7 =	vld [tilespmem:s25+$0xFFFFFFB0];
	_ =	sdelay $0x4  }
0x191: {  	v8 =	vand.u32 $0x3FFF, v7  }
0x192: {  	v52 =	vadd.s32 v5, v8  }
0x193: {  	v53 =	vand.u32 $0x7F, v7;
	v9 =	vand.u32 $0x7F80, v52  }
0x194: {  	v9 =	vor.u32 v53, v9;
	_ =	sdelay $0x1  }
0x195: {  	s29 =	sxor.u32 $0x62A0, s26;
	v7 =	vshra.s32 v7, $0xE  }
0x196: {  	s30 =	sxor.u32 $0x63A0, s26;
	[tilespmem:s29+$0x0] =	vst v7  }
0x197: {  	[tilespmem:s30+$0x0] =	vst v8  }
0x198: {  	[tilespmem:v9+s15+$0x0] =	vst.idx.add.f32.msk $0xf, v6  }
0x199: {  	[tilespmem:v9+s15+$0x0] =	vst.idx.add.f32.msk vm0, v6  }
0x19a: {  	[tilespmem:v9+s15+$0x0] =	vst.idx.add.f32.msk vm1, v6  }
0x19b: {  	[tilespmem:v9+s15+$0x0] =	vst.idx.add.f32.msk vm2, v6  }
0x19c: {  	v7 =	vld [tilespmem:s25+$0xFFFFFFC0];
	_ =	sdelay $0x4  }
0x19d: {  	v8 =	vand.u32 $0x3FFF, v7  }
0x19e: {  	v54 =	vadd.s32 v5, v8  }
0x19f: {  	v55 =	vand.u32 $0x7F, v7;
	v9 =	vand.u32 $0x7F80, v54  }
0x1a0: {  	v9 =	vor.u32 v55, v9;
	_ =	sdelay $0x1  }
0x1a1: {  	s31 =	sxor.u32 $0x62B0, s26;
	v7 =	vshra.s32 v7, $0xE  }
0x1a2: {  	s29 =	sxor.u32 $0x63B0, s26;
	[tilespmem:s31+$0x0] =	vst v7  }
0x1a3: {  	[tilespmem:s29+$0x0] =	vst v8  }
0x1a4: {  	[tilespmem:v9+s15+$0x0] =	vst.idx.add.f32.msk $0xf, v6  }
0x1a5: {  	[tilespmem:v9+s15+$0x0] =	vst.idx.add.f32.msk vm0, v6  }
0x1a6: {  	[tilespmem:v9+s15+$0x0] =	vst.idx.add.f32.msk vm1, v6  }
0x1a7: {  	[tilespmem:v9+s15+$0x0] =	vst.idx.add.f32.msk vm2, v6  }
0x1a8: {  	v7 =	vld [tilespmem:s25+$0xFFFFFFD0];
	_ =	sdelay $0x4  }
0x1a9: {  	v8 =	vand.u32 $0x3FFF, v7  }
0x1aa: {  	v56 =	vadd.s32 v5, v8  }
0x1ab: {  	v57 =	vand.u32 $0x7F, v7;
	v9 =	vand.u32 $0x7F80, v56  }
0x1ac: {  	v9 =	vor.u32 v57, v9;
	_ =	sdelay $0x1  }
0x1ad: {  	s30 =	sxor.u32 $0x62C0, s26;
	v7 =	vshra.s32 v7, $0xE  }
0x1ae: {  	s31 =	sxor.u32 $0x63C0, s26;
	[tilespmem:s30+$0x0] =	vst v7  }
0x1af: {  	[tilespmem:s31+$0x0] =	vst v8  }
0x1b0: {  	[tilespmem:v9+s15+$0x0] =	vst.idx.add.f32.msk $0xf, v6  }
0x1b1: {  	[tilespmem:v9+s15+$0x0] =	vst.idx.add.f32.msk vm0, v6  }
0x1b2: {  	[tilespmem:v9+s15+$0x0] =	vst.idx.add.f32.msk vm1, v6  }
0x1b3: {  	[tilespmem:v9+s15+$0x0] =	vst.idx.add.f32.msk vm2, v6  }
0x1b4: {  	v7 =	vld [tilespmem:s25+$0xFFFFFFE0];
	_ =	sdelay $0x4  }
0x1b5: {  	v8 =	vand.u32 $0x3FFF, v7  }
0x1b6: {  	v58 =	vadd.s32 v5, v8  }
0x1b7: {  	v59 =	vand.u32 $0x7F, v7;
	v9 =	vand.u32 $0x7F80, v58  }
0x1b8: {  	v9 =	vor.u32 v59, v9;
	_ =	sdelay $0x1  }
0x1b9: {  	s29 =	sxor.u32 $0x62D0, s26;
	v7 =	vshra.s32 v7, $0xE  }
0x1ba: {  	s30 =	sxor.u32 $0x63D0, s26;
	[tilespmem:s29+$0x0] =	vst v7  }
0x1bb: {  	[tilespmem:s30+$0x0] =	vst v8  }
0x1bc: {  	[tilespmem:v9+s15+$0x0] =	vst.idx.add.f32.msk $0xf, v6  }
0x1bd: {  	[tilespmem:v9+s15+$0x0] =	vst.idx.add.f32.msk vm0, v6  }
0x1be: {  	[tilespmem:v9+s15+$0x0] =	vst.idx.add.f32.msk vm1, v6  }
0x1bf: {  	[tilespmem:v9+s15+$0x0] =	vst.idx.add.f32.msk vm2, v6  }
0x1c0: {  	v7 =	vld [tilespmem:s25+$0xFFFFFFF0];
	_ =	sdelay $0x4  }
0x1c1: {  	v8 =	vand.u32 $0x3FFF, v7  }
0x1c2: {  	v60 =	vadd.s32 v5, v8  }
0x1c3: {  	v61 =	vand.u32 $0x7F, v7;
	v9 =	vand.u32 $0x7F80, v60  }
0x1c4: {  	v9 =	vor.u32 v61, v9;
	_ =	sdelay $0x1  }
0x1c5: {  	s31 =	sxor.u32 $0x62E0, s26;
	v7 =	vshra.s32 v7, $0xE  }
0x1c6: {  	s29 =	sxor.u32 $0x63E0, s26;
	[tilespmem:s31+$0x0] =	vst v7  }
0x1c7: {  	[tilespmem:s29+$0x0] =	vst v8  }
0x1c8: {  	[tilespmem:v9+s15+$0x0] =	vst.idx.add.f32.msk $0xf, v6  }
0x1c9: {  	[tilespmem:v9+s15+$0x0] =	vst.idx.add.f32.msk vm0, v6  }
0x1ca: {  	[tilespmem:v9+s15+$0x0] =	vst.idx.add.f32.msk vm1, v6  }
0x1cb: {  	[tilespmem:v9+s15+$0x0] =	vst.idx.add.f32.msk vm2, v6  }
0x1cc: {  	v7 =	vld [tilespmem:s25+$0x0];
	_ =	sdelay $0x4  }
0x1cd: {  	v8 =	vand.u32 $0x3FFF, v7  }
0x1ce: {  	v62 =	vadd.s32 v5, v8  }
0x1cf: {  	v63 =	vand.u32 $0x7F, v7;
	v9 =	vand.u32 $0x7F80, v62  }
0x1d0: {  	v9 =	vor.u32 v63, v9;
	_ =	sdelay $0x1  }
0x1d1: {  	s30 =	sxor.u32 $0x62F0, s26;
	v7 =	vshra.s32 v7, $0xE  }
0x1d2: {  	s31 =	sxor.u32 $0x63F0, s26;
	[tilespmem:s30+$0x0] =	vst v7  }
0x1d3: {  	[tilespmem:s31+$0x0] =	vst v8  }
0x1d4: {  	[tilespmem:v9+s15+$0x0] =	vst.idx.add.f32.msk $0xf, v6  }
0x1d5: {  	[tilespmem:v9+s15+$0x0] =	vst.idx.add.f32.msk vm0, v6  }
0x1d6: {  	[tilespmem:v9+s15+$0x0] =	vst.idx.add.f32.msk vm1, v6  }
0x1d7: {  	[tilespmem:v9+s15+$0x0] =	vst.idx.add.f32.msk vm2, v6  }
0x1d8: {  	_ =	swait.ge [sflag:s17], $0x4000  }
0x1d9: {  	p0 =	sne.s32 s23, $0x1;
	[sflag:s17] =	ssyncset.done $0x0  }
.Ltmp3:
0x1da: {  	s26 =	sor.u32 $0x6300, s26;
	[sflag:s17] =	ssyncadd.s32 $0xFFFFC000;
	(pc) =	sbr.rel @p0 .LBB2_7-.Ltmp3, $4  }
0x1db: {  	[spmem:s3] =	stream.indirect.scatter.add.f32 [tilespmem:s19], [sflag:$0x2], $0x80, s26, s18, $0xb8;
	[tilespmem:$0x1AE80] =	vst v63  }
0x1dc: {  	_ =	swait.ge [sflag:s14], $0x4000  }
0x1dd: {  	s24 =	sadd.s32 $0x80, s24;
	[sflag:s14] =	ssyncset.done $0x0  }
0x1de: {  	s23 =	sadd.s32 $0xFFFFFFFF, s23;
	s25 =	sadd.s32 $0x80, s25;
	[sflag:s14] =	ssyncadd.s32 $0xFFFFC000  }
.LBB2_8:
0x1df: {  	s23 =	simm.s32 $0x0;
	s24 =	simm.s32 $0xA400  }
0x1e0: {  	s23 =	sand.u32 $0x1FF0, s23;
	v8 =	vld [tilespmem:s24+$0x0]  }
0x1e1: {  	v7 =	vld [tilespmem:s23+$0xB880]  }
0x1e2: {  	v9 =	vld [tilespmem:s23+$0xCD00]  }
0x1e3: {  	v10 =	vld [tilespmem:s23+$0xE180];
	_ =	sdelay $0x4  }
0x1e4: {  	v7 =	vadd.f32 v7, v8;
	v8 =	vadd.f32 v10, v9;
	_ =	sdelay $0x1  }
0x1e5: {  	v7 =	vadd.f32 v8, v7  }
0x1e6: {  	s31 =	simm.s32 $0x10;
	s23 =	simm.s32 $0xF600  }
0x1e7: {  	s26 =	sand.u32 $0x1FF0, s31;
	[tilespmem:s23+$0x0] =	vst v7  }
0x1e8: {  	s24 =	simm.s32 $0xA410;
	v7 =	vld [tilespmem:s26+$0xB880]  }
0x1e9: {  	v8 =	vld [tilespmem:s24+$0x0]  }
0x1ea: {  	s25 =	simm.s32 $0x20;
	v9 =	vld [tilespmem:s26+$0xCD00]  }
.LBB2_9:
0x1eb: {  	p0 =	sne.s32 s25, $0x1470;
	v10 =	vld [tilespmem:s26+$0xE180];
	_ =	sdelay $0x4  }
0x1ec: {  	v7 =	vadd.f32 v7, v8;
	v8 =	vadd.f32 v10, v9;
	_ =	sdelay $0x1  }
0x1ed: {  	v7 =	vadd.f32 v8, v7  }
.Ltmp4:
0x1ee: {  	s23 =	sadd.s32 $0x10, s23;
	(pc) =	sbr.rel @p0 .LBB2_9-.Ltmp4, $4  }
0x1ef: {  	s26 =	sand.u32 $0x1FF0, s25;
	[tilespmem:s23+$0x0] =	vst v7  }
0x1f0: {  	s24 =	sadd.s32 $0x10, s24;
	v7 =	vld [tilespmem:s26+$0xB880]  }
0x1f1: {  	v8 =	vld [tilespmem:s24+$0x0]  }
0x1f2: {  	s25 =	sadd.s32 $0x10, s25;
	v9 =	vld [tilespmem:s26+$0xCD00]  }
0x1f3: {  	v10 =	vld [tilespmem:s26+$0xE180];
	_ =	sdelay $0x4  }
0x1f4: {  	v7 =	vadd.f32 v7, v8;
	v8 =	vadd.f32 v10, v9;
	_ =	sdelay $0x1  }
0x1f5: {  	v7 =	vadd.f32 v8, v7  }
0x1f6: {  	s23 =	sadd.s32 $0x10, s23  }
0x1f7: {  	[tilespmem:s23+$0x0] =	vst v7  }
0x1f8: {  	[bflag:$0x0] =	sbarrier.arrive $0xFFFF  }
0x1f9: {  	[hbm:s10], [sflag:s8] =	dma.local [spmem:s13], $0x1480  }
0x1fa: {  	s22 =	sadd.s32 $0x1, s22;
	_ =	swait.ge [sflag:s14], $0x1480  }
0x1fb: {  	p0 =	sne.s32 s22, s12;
	[sflag:s14] =	ssyncset.done $0x0  }
.Ltmp5:
0x1fc: {  	[sflag:s14] =	ssyncadd.s32 $0xFFFFEB80;
	(pc) =	sbr.rel @p0 .LBB2_1-.Ltmp5, $4  }
0x1fd: {  	[hbm4b:s11+s18] =	stream.strided.scatter [tilespmem:s21], [sflag:$0x2], $0x1480, s20, s18, $0x38;
	[tilespmem:$0x1AE80] =	vst v63  }
0x1fe: {  	_ =	swait.ge [sflag:s14], $0x1480  }
0x1ff: {  	[sflag:s14] =	ssyncset.done $0x0  }
0x200: {  	[sflag:s14] =	ssyncadd.s32 $0xFFFFEB80  }
0x201: {  	_ =	sfence.sel $0x180000  }
0x202: {  	[bflag:$0x0] =	sbarrier.arrive $0xFFFF  }
0x203: {  	p0 =	sne.s32 s2, $0x0;
	_ =	strace $0x90000047  }
0x204: {  	s0 =	sadd.s32 @!p0 $0x100000, s0;
	[bflag:$0x2] =	sbarrier.arrive $0xFFFF  }
0x205: {  	[sflag:s0] =	ssyncadd.tile.s32 @!p0 $0x1;
	_ =	shalt  }
.Lfunc_end2:
_tile_overlayer_lowered:
.L_overlay_start_2:
0x206: {  	(tag) =	ssettag $0x2  }
0x207: {  	s0 =	rddreg [dreg:$0x0];
	s2 =	stileid.u32  }
0x208: {  	s1 =	rddreg [dreg:$0x1];
	p0 =	sne.s32 s2, $0x0  }
0x209: {  	s3 =	rddreg [dreg:$0x2];
	[bflag:$0x3] =	sbarrier.arrive $0xFFFF;
	s2 =	simm.s32 @!p0 $0x1C02  }
0x20a: {  	[timem:s3], [sflag:s2] =	dma.local @!p0 [hbm:s0], s1  }
0x20b: {  	s0 =	simm.s32 @!p0 $0x2  }
0x20c: {  	_ =	swait.ge @!p0 [sflag:s0], s1  }
0x20d: {  	s1 =	ssub.s32 @!p0 $0x0, s1;
	[sflag:s0] =	ssyncset.done @!p0 $0x0  }
0x20e: {  	[sflag:s0] =	ssyncadd.s32 @!p0 s1  }
0x20f: {  	[bflag:$0x3] =	sbarrier.arrive $0xFFFF  }
0x210: {  	_ =	shalt  }

</sc_bundles>
